<compile_context>
chip_gen: v7x
topology: tpu7x:2x2x1
jax: 0.10.2.dev20260603
libtpu: 0.0.44.dev20260713+nightly
codegen_flags: <defaults>
</compile_context>

<pallas_src>
import functools

import jax
import jax.numpy as jnp
from jax import lax
from jax.experimental import pallas as pl
from jax.experimental.pallas import tpu as pltpu
from jax.experimental.pallas import tpu_sc as plsc

_LANES = 16


def _router_body(rw_ref, rb_ref, x_ref, d_ref):
    xb = x_ref[...].astype(jnp.bfloat16)
    rwb = rw_ref[...].astype(jnp.bfloat16)
    l = jax.lax.dot_general(
        rwb, xb, (((1,), (1,)), ((), ())),
        preferred_element_type=jnp.float32)
    d_ref[0] = (l[0:1, :] - l[1:2, :]) + (rb_ref[0] - rb_ref[1])


def _router_d(xf, router_w, router_b, n_blk):
    bs, h = xf.shape
    blk = bs // n_blk
    d3 = pl.pallas_call(
        _router_body,
        grid=(n_blk,),
        in_specs=[
            pl.BlockSpec((router_w.shape[0], h), lambda i: (0, 0)),
            pl.BlockSpec(memory_space=pltpu.SMEM),
            pl.BlockSpec((blk, h), lambda i: (i, 0)),
        ],
        out_specs=pl.BlockSpec((1, 1, blk), lambda i: (i, 0, 0)),
        out_shape=jax.ShapeDtypeStruct((n_blk, 1, blk), jnp.float32),
    )(router_w, router_b, xf)
    return d3


def _make_sc_select(bs, h):
    mesh = plsc.VectorSubcoreMesh(core_axis_name="c", subcore_axis_name="s")
    n_chunks = bs // _LANES

    @functools.partial(
        pl.kernel,
        mesh=mesh,
        out_type=(
            jax.ShapeDtypeStruct((_LANES,), jnp.int32),
            jax.ShapeDtypeStruct((_LANES,), jnp.float32),
            jax.ShapeDtypeStruct((_LANES, h), jnp.float32),
        ),
        scratch_types=[
            pltpu.VMEM((bs,), jnp.float32),
            pltpu.VMEM((_LANES,), jnp.int32),
            pltpu.VMEM((_LANES,), jnp.float32),
            pltpu.VMEM((_LANES, h), jnp.float32),
            pltpu.VMEM((2 * _LANES,), jnp.float32),
            pltpu.VMEM((2 * _LANES,), jnp.int32),
            pltpu.SemaphoreType.DMA,
        ],
    )
    def sc_select(d_hbm, x_hbm, tok_out, gate_out, rows_out,
                  d_v, tok_v, gate_v, rows_v, buff, bufi, sem):
        cid = lax.axis_index("c")
        sid = lax.axis_index("s")

        @pl.when(jnp.logical_and(cid == 0, sid == 0))
        def _():
            pltpu.sync_copy(d_hbm, d_v)
            lane = lax.iota(jnp.int32, _LANES)
            neg = jnp.float32(-3.0e38)
            pos = jnp.float32(3.0e38)

            def rot_f(v, k):
                buff[pl.ds(0, _LANES)] = v
                buff[pl.ds(_LANES, _LANES)] = v
                return buff[pl.ds(k, _LANES)]

            def rot_i(v, k):
                bufi[pl.ds(0, _LANES)] = v
                bufi[pl.ds(_LANES, _LANES)] = v
                return bufi[pl.ds(k, _LANES)]

            def xreduce(v, i, is_max):
                for sh in (1, 2, 4, 8):
                    v2 = rot_f(v, sh)
                    i2 = rot_i(i, sh)
                    if is_max:
                        t = (v2 > v) | ((v2 == v) & (i2 < i))
                    else:
                        t = (v2 < v) | ((v2 == v) & (i2 < i))
                    v = jnp.where(t, v2, v)
                    i = jnp.where(t, i2, i)
                return v, i

            def body(i, carry):
                mx1, im1, mx2, im2, mn1, jn1, mn2, jn2 = carry
                v = d_v[pl.ds(i * _LANES, _LANES)]
                idx = lane + i * _LANES
                gt1 = v > mx1
                gt2 = v > mx2
                mx2 = jnp.where(gt1, mx1, jnp.where(gt2, v, mx2))
                im2 = jnp.where(gt1, im1, jnp.where(gt2, idx, im2))
                mx1 = jnp.where(gt1, v, mx1)
                im1 = jnp.where(gt1, idx, im1)
                lt1 = v < mn1
                lt2 = v < mn2
                mn2 = jnp.where(lt1, mn1, jnp.where(lt2, v, mn2))
                jn2 = jnp.where(lt1, jn1, jnp.where(lt2, idx, jn2))
                mn1 = jnp.where(lt1, v, mn1)
                jn1 = jnp.where(lt1, idx, jn1)
                return mx1, im1, mx2, im2, mn1, jn1, mn2, jn2

            zi = jnp.zeros((_LANES,), jnp.int32)
            mx1, im1, mx2, im2, mn1, jn1, mn2, jn2 = lax.fori_loop(
                0, n_chunks, body,
                (jnp.full((_LANES,), neg), zi, jnp.full((_LANES,), neg), zi,
                 jnp.full((_LANES,), pos), zi, jnp.full((_LANES,), pos), zi))
            m1, i1 = xreduce(mx1, im1, True)
            n1, j1 = xreduce(mn1, jn1, False)
            winx = (mx1 == m1) & (im1 == i1)
            m2, i2 = xreduce(jnp.where(winx, mx2, mx1),
                             jnp.where(winx, im2, im1), True)
            winn = (mn1 == n1) & (jn1 == j1)
            n2, j2 = xreduce(jnp.where(winn, mn2, mn1),
                             jnp.where(winn, jn2, jn1), False)

            z = jnp.where(lane == 0, m1,
                          jnp.where(lane == 1, -n1,
                                    jnp.where(lane == 2, m2,
                                              jnp.where(lane == 3, -n2, 0.0))))
            gates = 1.0 / (1.0 + jnp.exp(-z))
            gates = jnp.where(lane < 4, gates, 0.0)
            toks = jnp.where(lane == 0, i1,
                             jnp.where(lane == 1, i2,
                                       jnp.where(lane == 2, j1,
                                                 jnp.where(lane == 3, j2, 0))))

            g2 = gates
            for k in (1, 2, 3, 13, 14, 15):
                tk = rot_i(toks, k)
                gk = rot_f(gates, k)
                g2 = g2 + jnp.where(toks == tk, gk, 0.0)
            gfin = jnp.where(lane < 4, g2, 0.0)
            tstore = toks

            tok_v[...] = tstore
            gate_v[...] = gfin
            pltpu.sync_copy(tok_v, tok_out)
            pltpu.sync_copy(gate_v, gate_out)
            pltpu.async_copy(x_hbm.at[tok_v], rows_v, sem).wait()
            pltpu.sync_copy(rows_v, rows_out)

    return sc_select


def _zero_body(d_ref, y_ref):
    y_ref[...] = jnp.zeros(y_ref.shape, y_ref.dtype)


def _zero_fill(d3, bs, h, n_blk):
    blk = bs // n_blk
    return pl.pallas_call(
        _zero_body,
        grid=(n_blk,),
        in_specs=[pl.BlockSpec(memory_space=pl.ANY)],
        out_specs=pl.BlockSpec((blk, h), lambda j: (j, 0)),
        out_shape=jax.ShapeDtypeStruct((bs, h), jnp.float32),
    )(d3)


def _mm_body(gate_ref, rows_ref, w_ref, b_ref, out_ref):
    e = jax.lax.dot_general(
        rows_ref[...].astype(jnp.bfloat16), w_ref[...].astype(jnp.bfloat16),
        (((1,), (1,)), ((), ())),
        preferred_element_type=jnp.float32) + b_ref[...]
    ridx = jax.lax.broadcasted_iota(jnp.int32, (_LANES, 1), 0)
    scale = jnp.where(ridx == 0, gate_ref[0],
                      jnp.where(ridx == 1, gate_ref[1],
                                jnp.where(ridx == 2, gate_ref[2],
                                          jnp.where(ridx == 3, gate_ref[3], 0.0))))
    out_ref[...] = e * scale


def _expert_mm(gates, rows, expert_w, expert_b, n_chunk=4):
    h = expert_w.shape[0]
    csz = h // n_chunk
    return pl.pallas_call(
        _mm_body,
        grid=(n_chunk,),
        in_specs=[
            pl.BlockSpec(memory_space=pltpu.SMEM),
            pl.BlockSpec((_LANES, h), lambda j: (0, 0)),
            pl.BlockSpec((csz, h), lambda j: (j, 0)),
            pl.BlockSpec((1, csz), lambda j: (0, j)),
        ],
        out_specs=pl.BlockSpec((_LANES, csz), lambda j: (0, j)),
        out_shape=jax.ShapeDtypeStruct((_LANES, h), jnp.float32),
    )(gates, rows, expert_w, expert_b.reshape(1, h))


def _scatter_body(tok_ref, eout_ref, yin_ref, yout_ref, sem):
    cps = [pltpu.make_async_copy(
        eout_ref.at[pl.ds(j, 1), :],
        yout_ref.at[pl.ds(tok_ref[j], 1), :],
        sem) for j in range(4)]
    for cp in cps:
        cp.start()
    for cp in cps:
        cp.wait()


def _scatter_rows(toks, eout, yzero):
    bs, h = yzero.shape
    return pl.pallas_call(
        _scatter_body,
        grid_spec=pltpu.PrefetchScalarGridSpec(
            num_scalar_prefetch=1,
            grid=(1,),
            in_specs=[
                pl.BlockSpec((_LANES, h), lambda j, tok_ref: (0, 0)),
                pl.BlockSpec(memory_space=pl.ANY),
            ],
            out_specs=pl.BlockSpec(memory_space=pl.ANY),
            scratch_shapes=[pltpu.SemaphoreType.DMA],
        ),
        out_shape=jax.ShapeDtypeStruct((bs, h), jnp.float32),
        input_output_aliases={2: 0},
    )(toks, eout, yzero)


def kernel(x, router_w, router_b, expert_w, expert_b):
    b, s, h = x.shape
    xf = x.reshape(-1, h)
    bs = xf.shape[0]
    n_blk = 4
    d3 = _router_d(xf, router_w, router_b, n_blk)
    toks, gates, rows = _make_sc_select(bs, h)(d3.reshape(bs), xf)
    yzero = _zero_fill(d3, bs, h, 4)
    eout = _expert_mm(gates, rows, expert_w, expert_b)
    y = _scatter_rows(toks, eout, yzero)
    return y.reshape(b, s, h)

# --- scband reference (transcript-rebuilt; emitter-appended) ---
"""Pipeline reference for scband-expert-choice-ffn-17643725652421 (READ-ONLY COPY).

The authoritative reference and input builder live on the scoring server;
editing this copy changes nothing except your own understanding.
"""

import jax, jax.numpy as jnp
import numpy as np

B, S, H, E = 2, 2048, 2048, 2

def setup_inputs(seed: int = 0) -> dict:
    key = jax.random.key(seed)
    k1, k2, k3, k4 = jax.random.split(key, 4)
    x = jax.random.normal(k1, (B, S, H), dtype=jnp.float32)
    router_w = jax.random.normal(k2, (E, H), dtype=jnp.float32) * 0.02
    router_b = jnp.zeros((E,), dtype=jnp.float32)
    # NOTE: the torch module builds nn.ModuleList([expert for _ in range(num_experts)])
    # from a SINGLE expert instance, so all experts SHARE one set of weights.
    expert_w = jax.random.normal(k3, (H, H), dtype=jnp.float32) * 0.02
    expert_b = jnp.zeros((H,), dtype=jnp.float32)
    return {"x": x, "router_w": router_w, "router_b": router_b, "expert_w": expert_w, "expert_b": expert_b}

def reference(x, router_w, router_b, expert_w, expert_b):
    b, s, hsz = x.shape
    num_experts = router_w.shape[0]
    xf = x.reshape(-1, hsz)                      # (bs, h)
    bs = xf.shape[0]
    logits = xf @ router_w.T + router_b          # (bs, E)
    Sm = jax.nn.softmax(logits, axis=-1)         # (bs, E)
    # torch.topk(S, k=2, dim=0): top-2 over the token dim, per expert
    G_t, idx_t = jax.lax.top_k(Sm.T, 2)          # (E, 2)
    G = G_t.T                                    # (2, E)
    idx = idx_t.T                                # (2, E)
    P = jax.nn.one_hot(idx, bs, dtype=xf.dtype)  # (k=2, E, bs)
    P = jnp.transpose(P, (2, 0, 1))              # (bs, k, E)
    y = jnp.zeros_like(xf)
    for e in range(num_experts):
        P_e = P[..., e]                          # (bs, k)
        G_e = G[e, :]                            # (E,) == (k,) since E == k == 2
        tokens = jnp.einsum('bk,bh->kh', P_e, xf)         # (k, h)
        Eout = tokens @ expert_w.T + expert_b             # shared expert (k, h)
        y = y + jnp.einsum('bk,k,kh->bh', P_e, G_e, Eout)  # (bs, h)
    return y.reshape(b, s, hsz)

if __name__ == "__main__":
    import jax
    _d = setup_inputs()
    print(jax.jit(kernel)(*tuple(_d.values())))

</pallas_src>

<mosaic_0001>
#map = affine_map<(d0, d1) -> (0)>
#map1 = affine_map<(d0, d1) -> (0, 0)>
module attributes {stable_mosaic.version = 14 : i64} {
  func.func @sc_select(%arg0: i32, %arg1: i32, %arg2: memref<4096xf32, #tpu.memory_space<hbm>>, %arg3: memref<4096x2048xf32, #tpu.memory_space<hbm>>, %arg4: memref<16xi32, #tpu.memory_space<hbm>>, %arg5: memref<16xf32, #tpu.memory_space<hbm>>, %arg6: memref<16x2048xf32, #tpu.memory_space<hbm>>, %arg7: memref<4096xf32, #tpu.memory_space<vmem>>, %arg8: memref<16xi32, #tpu.memory_space<vmem>>, %arg9: memref<16xf32, #tpu.memory_space<vmem>>, %arg10: memref<16x2048xf32, #tpu.memory_space<vmem>>, %arg11: memref<32xf32, #tpu.memory_space<vmem>>, %arg12: memref<32xi32, #tpu.memory_space<vmem>>, %arg13: memref<!tpu.dma_semaphore, #tpu.memory_space<semaphore_mem>>) attributes {dimension_semantics = [#tpu.dimension_semantics<core_parallel>, #tpu.dimension_semantics<subcore_parallel>], iteration_bounds = array<i64: 2, 16>, scalar_prefetch = 0 : i64, scratch_operands = 7 : i64, tpu.core_type = #tpu.core_type<sc_vector_subcore>, window_params = [{transform_indices = #map}, {transform_indices = #map1}, {transform_indices = #map}, {transform_indices = #map}, {transform_indices = #map1}]} {
    %eq3A = arith.constant 0 : i32
    %eq3A_0 = arith.cmpi eq, %arg0, %eq3A : i32
    %eq3A_1 = arith.constant 0 : i32
    %eq3A_2 = arith.cmpi eq, %arg1, %eq3A_1 : i32
    %and3A = arith.andi %eq3A_0, %eq3A_2 : i1
    %convert_element_type3A = arith.extui %and3A : i1 to i32
    %cond3A = arith.constant 0 : i32
    %cond3A_3 = arith.cmpi ne, %convert_element_type3A, %cond3A : i32
    scf.if %cond3A_3 {
      "tpu.region"() ({
        %run_scoped3A = tpu.sem_alloc : memref<!tpu.dma_semaphore, #tpu.memory_space<semaphore_mem>>
        tpu.enqueue_dma source(%arg2 : memref<4096xf32, #tpu.memory_space<hbm>>) target(%arg7 : memref<4096xf32, #tpu.memory_space<vmem>>) target_semaphore(%run_scoped3A : memref<!tpu.dma_semaphore, #tpu.memory_space<semaphore_mem>>)
        tpu.wait_dma2 semaphore(%run_scoped3A : memref<!tpu.dma_semaphore, #tpu.memory_space<semaphore_mem>>) src(%arg2 : memref<4096xf32, #tpu.memory_space<hbm>>) dst(%arg7 : memref<4096xf32, #tpu.memory_space<vmem>>)
        tpu.yield
      }) : () -> ()
      %iota3A = tpu.iota {dimensions = array<i32: 0>} : vector<16xi32>
      %broadcast_in_dim3A = arith.constant 0 : i32
      %broadcast_in_dim3A_4 = vector.broadcast %broadcast_in_dim3A : i32 to vector<16xi32>
      %broadcast_in_dim3A_5 = arith.constant -3.000000e+38 : f32
      %broadcast_in_dim3A_6 = vector.broadcast %broadcast_in_dim3A_5 : f32 to vector<16xf32>
      %broadcast_in_dim3A_7 = arith.constant -3.000000e+38 : f32
      %broadcast_in_dim3A_8 = vector.broadcast %broadcast_in_dim3A_7 : f32 to vector<16xf32>
      %broadcast_in_dim3A_9 = arith.constant 3.000000e+38 : f32
      %broadcast_in_dim3A_10 = vector.broadcast %broadcast_in_dim3A_9 : f32 to vector<16xf32>
      %broadcast_in_dim3A_11 = arith.constant 3.000000e+38 : f32
      %broadcast_in_dim3A_12 = vector.broadcast %broadcast_in_dim3A_11 : f32 to vector<16xf32>
      %scan3A = arith.constant 0 : i32
      %scan3A_13 = arith.constant 256 : i32
      %scan3A_14 = arith.addi %scan3A, %scan3A_13 : i32
      %scan3A_15 = arith.constant 1 : i32
      %scan3A_16:8 = scf.for %scan3A_719 = %scan3A to %scan3A_14 step %scan3A_15 iter_args(%scan3A_720 = %broadcast_in_dim3A_6, %scan3A_721 = %broadcast_in_dim3A_4, %scan3A_722 = %broadcast_in_dim3A_8, %scan3A_723 = %broadcast_in_dim3A_4, %scan3A_724 = %broadcast_in_dim3A_10, %scan3A_725 = %broadcast_in_dim3A_4, %scan3A_726 = %broadcast_in_dim3A_12, %scan3A_727 = %broadcast_in_dim3A_4) -> (vector<16xf32>, vector<16xi32>, vector<16xf32>, vector<16xi32>, vector<16xf32>, vector<16xi32>, vector<16xf32>, vector<16xi32>)  : i32 {
        %mul3A = arith.constant 16 : i32
        %mul3A_728 = arith.muli %scan3A_719, %mul3A : i32
        %get3A_729 = arith.index_cast %mul3A_728 : i32 to index
        %get3A_730 = tpu.vector_load %arg7[%get3A_729] {strides = array<i32>} : memref<4096xf32, #tpu.memory_space<vmem>>, vector<16xf32>,
        %get3A_731 = vector.shape_cast %get3A_730 : vector<16xf32> to vector<16xf32>
        %mul3A_732 = arith.constant 16 : i32
        %mul3A_733 = arith.muli %scan3A_719, %mul3A_732 : i32
        %add3A_734 = vector.broadcast %mul3A_733 : i32 to vector<16xi32>
        %add3A_735 = arith.addi %iota3A, %add3A_734 : vector<16xi32>
        %gt3A_736 = arith.cmpf ogt, %get3A_731, %scan3A_720 : vector<16xf32>
        %gt3A_737 = arith.cmpf ogt, %get3A_731, %scan3A_722 : vector<16xf32>
        %select_n3A_738 = arith.select %gt3A_737, %get3A_731, %scan3A_722 : vector<16xi1>, vector<16xf32>
        %select_n3A_739 = arith.select %gt3A_736, %scan3A_720, %select_n3A_738 : vector<16xi1>, vector<16xf32>
        %select_n3A_740 = arith.select %gt3A_737, %add3A_735, %scan3A_723 : vector<16xi1>, vector<16xi32>
        %select_n3A_741 = arith.select %gt3A_736, %scan3A_721, %select_n3A_740 : vector<16xi1>, vector<16xi32>
        %select_n3A_742 = arith.select %gt3A_736, %get3A_731, %scan3A_720 : vector<16xi1>, vector<16xf32>
        %select_n3A_743 = arith.select %gt3A_736, %add3A_735, %scan3A_721 : vector<16xi1>, vector<16xi32>
        %lt3A_744 = arith.cmpf olt, %get3A_731, %scan3A_724 : vector<16xf32>
        %lt3A_745 = arith.cmpf olt, %get3A_731, %scan3A_726 : vector<16xf32>
        %select_n3A_746 = arith.select %lt3A_745, %get3A_731, %scan3A_726 : vector<16xi1>, vector<16xf32>
        %select_n3A_747 = arith.select %lt3A_744, %scan3A_724, %select_n3A_746 : vector<16xi1>, vector<16xf32>
        %select_n3A_748 = arith.select %lt3A_745, %add3A_735, %scan3A_727 : vector<16xi1>, vector<16xi32>
        %select_n3A_749 = arith.select %lt3A_744, %scan3A_725, %select_n3A_748 : vector<16xi1>, vector<16xi32>
        %select_n3A_750 = arith.select %lt3A_744, %get3A_731, %scan3A_724 : vector<16xi1>, vector<16xf32>
        %select_n3A_751 = arith.select %lt3A_744, %add3A_735, %scan3A_725 : vector<16xi1>, vector<16xi32>
        scf.yield %select_n3A_742, %select_n3A_743, %select_n3A_739, %select_n3A_741, %select_n3A_750, %select_n3A_751, %select_n3A_747, %select_n3A_749 : vector<16xf32>, vector<16xi32>, vector<16xf32>, vector<16xi32>, vector<16xf32>, vector<16xi32>, vector<16xf32>, vector<16xi32>
      }
      %scan3A_17 = arith.constant 256 : i32
      %swap3A = arith.constant 0 : index
      %swap3A_18 = tpu.vector_load %arg11[%swap3A] {strides = array<i32>} : memref<32xf32, #tpu.memory_space<vmem>>, vector<16xf32>,
      %swap3A_19 = vector.shape_cast %swap3A_18 : vector<16xf32> to vector<16xf32>
      %swap3A_20 = vector.shape_cast %scan3A_16#0 : vector<16xf32> to vector<16xf32>
      tpu.vector_store %arg11[%swap3A], %swap3A_20 {strides = array<i32>} : memref<32xf32, #tpu.memory_space<vmem>>, vector<16xf32>,
      %swap3A_21 = arith.constant 16 : index
      %swap3A_22 = tpu.vector_load %arg11[%swap3A_21] {strides = array<i32>} : memref<32xf32, #tpu.memory_space<vmem>>, vector<16xf32>,
      %swap3A_23 = vector.shape_cast %swap3A_22 : vector<16xf32> to vector<16xf32>
      %swap3A_24 = vector.shape_cast %scan3A_16#0 : vector<16xf32> to vector<16xf32>
      tpu.vector_store %arg11[%swap3A_21], %swap3A_24 {strides = array<i32>} : memref<32xf32, #tpu.memory_space<vmem>>, vector<16xf32>,
      %get3A = arith.constant 1 : index
      %get3A_25 = tpu.vector_load %arg11[%get3A] {strides = array<i32>} : memref<32xf32, #tpu.memory_space<vmem>>, vector<16xf32>,
      %get3A_26 = vector.shape_cast %get3A_25 : vector<16xf32> to vector<16xf32>
      %swap3A_27 = arith.constant 0 : index
      %swap3A_28 = tpu.vector_load %arg12[%swap3A_27] {strides = array<i32>} : memref<32xi32, #tpu.memory_space<vmem>>, vector<16xi32>,
      %swap3A_29 = vector.shape_cast %swap3A_28 : vector<16xi32> to vector<16xi32>
      %swap3A_30 = vector.shape_cast %scan3A_16#1 : vector<16xi32> to vector<16xi32>
      tpu.vector_store %arg12[%swap3A_27], %swap3A_30 {strides = array<i32>} : memref<32xi32, #tpu.memory_space<vmem>>, vector<16xi32>,
      %swap3A_31 = arith.constant 16 : index
      %swap3A_32 = tpu.vector_load %arg12[%swap3A_31] {strides = array<i32>} : memref<32xi32, #tpu.memory_space<vmem>>, vector<16xi32>,
      %swap3A_33 = vector.shape_cast %swap3A_32 : vector<16xi32> to vector<16xi32>
      %swap3A_34 = vector.shape_cast %scan3A_16#1 : vector<16xi32> to vector<16xi32>
      tpu.vector_store %arg12[%swap3A_31], %swap3A_34 {strides = array<i32>} : memref<32xi32, #tpu.memory_space<vmem>>, vector<16xi32>,
      %get3A_35 = arith.constant 1 : index
      %get3A_36 = tpu.vector_load %arg12[%get3A_35] {strides = array<i32>} : memref<32xi32, #tpu.memory_space<vmem>>, vector<16xi32>,
      %get3A_37 = vector.shape_cast %get3A_36 : vector<16xi32> to vector<16xi32>
      %gt3A = arith.cmpf ogt, %get3A_26, %scan3A_16#0 : vector<16xf32>
      %eq3A_38 = arith.cmpf oeq, %get3A_26, %scan3A_16#0 : vector<16xf32>
      %lt3A = arith.cmpi slt, %get3A_37, %scan3A_16#1 : vector<16xi32>
      %and3A_39 = arith.andi %eq3A_38, %lt3A : vector<16xi1>
      %or3A = arith.ori %gt3A, %and3A_39 : vector<16xi1>
      %select_n3A = arith.select %or3A, %get3A_26, %scan3A_16#0 : vector<16xi1>, vector<16xf32>
      %select_n3A_40 = arith.select %or3A, %get3A_37, %scan3A_16#1 : vector<16xi1>, vector<16xi32>
      %swap3A_41 = arith.constant 0 : index
      %swap3A_42 = tpu.vector_load %arg11[%swap3A_41] {strides = array<i32>} : memref<32xf32, #tpu.memory_space<vmem>>, vector<16xf32>,
      %swap3A_43 = vector.shape_cast %swap3A_42 : vector<16xf32> to vector<16xf32>
      %swap3A_44 = vector.shape_cast %select_n3A : vector<16xf32> to vector<16xf32>
      tpu.vector_store %arg11[%swap3A_41], %swap3A_44 {strides = array<i32>} : memref<32xf32, #tpu.memory_space<vmem>>, vector<16xf32>,
      %swap3A_45 = arith.constant 16 : index
      %swap3A_46 = tpu.vector_load %arg11[%swap3A_45] {strides = array<i32>} : memref<32xf32, #tpu.memory_space<vmem>>, vector<16xf32>,
      %swap3A_47 = vector.shape_cast %swap3A_46 : vector<16xf32> to vector<16xf32>
      %swap3A_48 = vector.shape_cast %select_n3A : vector<16xf32> to vector<16xf32>
      tpu.vector_store %arg11[%swap3A_45], %swap3A_48 {strides = array<i32>} : memref<32xf32, #tpu.memory_space<vmem>>, vector<16xf32>,
      %get3A_49 = arith.constant 2 : index
      %get3A_50 = tpu.vector_load %arg11[%get3A_49] {strides = array<i32>} : memref<32xf32, #tpu.memory_space<vmem>>, vector<16xf32>,
      %get3A_51 = vector.shape_cast %get3A_50 : vector<16xf32> to vector<16xf32>
      %swap3A_52 = arith.constant 0 : index
      %swap3A_53 = tpu.vector_load %arg12[%swap3A_52] {strides = array<i32>} : memref<32xi32, #tpu.memory_space<vmem>>, vector<16xi32>,
      %swap3A_54 = vector.shape_cast %swap3A_53 : vector<16xi32> to vector<16xi32>
      %swap3A_55 = vector.shape_cast %select_n3A_40 : vector<16xi32> to vector<16xi32>
      tpu.vector_store %arg12[%swap3A_52], %swap3A_55 {strides = array<i32>} : memref<32xi32, #tpu.memory_space<vmem>>, vector<16xi32>,
      %swap3A_56 = arith.constant 16 : index
      %swap3A_57 = tpu.vector_load %arg12[%swap3A_56] {strides = array<i32>} : memref<32xi32, #tpu.memory_space<vmem>>, vector<16xi32>,
      %swap3A_58 = vector.shape_cast %swap3A_57 : vector<16xi32> to vector<16xi32>
      %swap3A_59 = vector.shape_cast %select_n3A_40 : vector<16xi32> to vector<16xi32>
      tpu.vector_store %arg12[%swap3A_56], %swap3A_59 {strides = array<i32>} : memref<32xi32, #tpu.memory_space<vmem>>, vector<16xi32>,
      %get3A_60 = arith.constant 2 : index
      %get3A_61 = tpu.vector_load %arg12[%get3A_60] {strides = array<i32>} : memref<32xi32, #tpu.memory_space<vmem>>, vector<16xi32>,
      %get3A_62 = vector.shape_cast %get3A_61 : vector<16xi32> to vector<16xi32>
      %gt3A_63 = arith.cmpf ogt, %get3A_51, %select_n3A : vector<16xf32>
      %eq3A_64 = arith.cmpf oeq, %get3A_51, %select_n3A : vector<16xf32>
      %lt3A_65 = arith.cmpi slt, %get3A_62, %select_n3A_40 : vector<16xi32>
      %and3A_66 = arith.andi %eq3A_64, %lt3A_65 : vector<16xi1>
      %or3A_67 = arith.ori %gt3A_63, %and3A_66 : vector<16xi1>
      %select_n3A_68 = arith.select %or3A_67, %get3A_51, %select_n3A : vector<16xi1>, vector<16xf32>
      %select_n3A_69 = arith.select %or3A_67, %get3A_62, %select_n3A_40 : vector<16xi1>, vector<16xi32>
      %swap3A_70 = arith.constant 0 : index
      %swap3A_71 = tpu.vector_load %arg11[%swap3A_70] {strides = array<i32>} : memref<32xf32, #tpu.memory_space<vmem>>, vector<16xf32>,
      %swap3A_72 = vector.shape_cast %swap3A_71 : vector<16xf32> to vector<16xf32>
      %swap3A_73 = vector.shape_cast %select_n3A_68 : vector<16xf32> to vector<16xf32>
      tpu.vector_store %arg11[%swap3A_70], %swap3A_73 {strides = array<i32>} : memref<32xf32, #tpu.memory_space<vmem>>, vector<16xf32>,
      %swap3A_74 = arith.constant 16 : index
      %swap3A_75 = tpu.vector_load %arg11[%swap3A_74] {strides = array<i32>} : memref<32xf32, #tpu.memory_space<vmem>>, vector<16xf32>,
      %swap3A_76 = vector.shape_cast %swap3A_75 : vector<16xf32> to vector<16xf32>
      %swap3A_77 = vector.shape_cast %select_n3A_68 : vector<16xf32> to vector<16xf32>
      tpu.vector_store %arg11[%swap3A_74], %swap3A_77 {strides = array<i32>} : memref<32xf32, #tpu.memory_space<vmem>>, vector<16xf32>,
      %get3A_78 = arith.constant 4 : index
      %get3A_79 = tpu.vector_load %arg11[%get3A_78] {strides = array<i32>} : memref<32xf32, #tpu.memory_space<vmem>>, vector<16xf32>,
      %get3A_80 = vector.shape_cast %get3A_79 : vector<16xf32> to vector<16xf32>
      %swap3A_81 = arith.constant 0 : index
      %swap3A_82 = tpu.vector_load %arg12[%swap3A_81] {strides = array<i32>} : memref<32xi32, #tpu.memory_space<vmem>>, vector<16xi32>,
      %swap3A_83 = vector.shape_cast %swap3A_82 : vector<16xi32> to vector<16xi32>
      %swap3A_84 = vector.shape_cast %select_n3A_69 : vector<16xi32> to vector<16xi32>
      tpu.vector_store %arg12[%swap3A_81], %swap3A_84 {strides = array<i32>} : memref<32xi32, #tpu.memory_space<vmem>>, vector<16xi32>,
      %swap3A_85 = arith.constant 16 : index
      %swap3A_86 = tpu.vector_load %arg12[%swap3A_85] {strides = array<i32>} : memref<32xi32, #tpu.memory_space<vmem>>, vector<16xi32>,
      %swap3A_87 = vector.shape_cast %swap3A_86 : vector<16xi32> to vector<16xi32>
      %swap3A_88 = vector.shape_cast %select_n3A_69 : vector<16xi32> to vector<16xi32>
      tpu.vector_store %arg12[%swap3A_85], %swap3A_88 {strides = array<i32>} : memref<32xi32, #tpu.memory_space<vmem>>, vector<16xi32>,
      %get3A_89 = arith.constant 4 : index
      %get3A_90 = tpu.vector_load %arg12[%get3A_89] {strides = array<i32>} : memref<32xi32, #tpu.memory_space<vmem>>, vector<16xi32>,
      %get3A_91 = vector.shape_cast %get3A_90 : vector<16xi32> to vector<16xi32>
      %gt3A_92 = arith.cmpf ogt, %get3A_80, %select_n3A_68 : vector<16xf32>
      %eq3A_93 = arith.cmpf oeq, %get3A_80, %select_n3A_68 : vector<16xf32>
      %lt3A_94 = arith.cmpi slt, %get3A_91, %select_n3A_69 : vector<16xi32>
      %and3A_95 = arith.andi %eq3A_93, %lt3A_94 : vector<16xi1>
      %or3A_96 = arith.ori %gt3A_92, %and3A_95 : vector<16xi1>
      %select_n3A_97 = arith.select %or3A_96, %get3A_80, %select_n3A_68 : vector<16xi1>, vector<16xf32>
      %select_n3A_98 = arith.select %or3A_96, %get3A_91, %select_n3A_69 : vector<16xi1>, vector<16xi32>
      %swap3A_99 = arith.constant 0 : index
      %swap3A_100 = tpu.vector_load %arg11[%swap3A_99] {strides = array<i32>} : memref<32xf32, #tpu.memory_space<vmem>>, vector<16xf32>,
      %swap3A_101 = vector.shape_cast %swap3A_100 : vector<16xf32> to vector<16xf32>
      %swap3A_102 = vector.shape_cast %select_n3A_97 : vector<16xf32> to vector<16xf32>
      tpu.vector_store %arg11[%swap3A_99], %swap3A_102 {strides = array<i32>} : memref<32xf32, #tpu.memory_space<vmem>>, vector<16xf32>,
      %swap3A_103 = arith.constant 16 : index
      %swap3A_104 = tpu.vector_load %arg11[%swap3A_103] {strides = array<i32>} : memref<32xf32, #tpu.memory_space<vmem>>, vector<16xf32>,
      %swap3A_105 = vector.shape_cast %swap3A_104 : vector<16xf32> to vector<16xf32>
      %swap3A_106 = vector.shape_cast %select_n3A_97 : vector<16xf32> to vector<16xf32>
      tpu.vector_store %arg11[%swap3A_103], %swap3A_106 {strides = array<i32>} : memref<32xf32, #tpu.memory_space<vmem>>, vector<16xf32>,
      %get3A_107 = arith.constant 8 : index
      %get3A_108 = tpu.vector_load %arg11[%get3A_107] {strides = array<i32>} : memref<32xf32, #tpu.memory_space<vmem>>, vector<16xf32>,
      %get3A_109 = vector.shape_cast %get3A_108 : vector<16xf32> to vector<16xf32>
      %swap3A_110 = arith.constant 0 : index
      %swap3A_111 = tpu.vector_load %arg12[%swap3A_110] {strides = array<i32>} : memref<32xi32, #tpu.memory_space<vmem>>, vector<16xi32>,
      %swap3A_112 = vector.shape_cast %swap3A_111 : vector<16xi32> to vector<16xi32>
      %swap3A_113 = vector.shape_cast %select_n3A_98 : vector<16xi32> to vector<16xi32>
      tpu.vector_store %arg12[%swap3A_110], %swap3A_113 {strides = array<i32>} : memref<32xi32, #tpu.memory_space<vmem>>, vector<16xi32>,
      %swap3A_114 = arith.constant 16 : index
      %swap3A_115 = tpu.vector_load %arg12[%swap3A_114] {strides = array<i32>} : memref<32xi32, #tpu.memory_space<vmem>>, vector<16xi32>,
      %swap3A_116 = vector.shape_cast %swap3A_115 : vector<16xi32> to vector<16xi32>
      %swap3A_117 = vector.shape_cast %select_n3A_98 : vector<16xi32> to vector<16xi32>
      tpu.vector_store %arg12[%swap3A_114], %swap3A_117 {strides = array<i32>} : memref<32xi32, #tpu.memory_space<vmem>>, vector<16xi32>,
      %get3A_118 = arith.constant 8 : index
      %get3A_119 = tpu.vector_load %arg12[%get3A_118] {strides = array<i32>} : memref<32xi32, #tpu.memory_space<vmem>>, vector<16xi32>,
      %get3A_120 = vector.shape_cast %get3A_119 : vector<16xi32> to vector<16xi32>
      %gt3A_121 = arith.cmpf ogt, %get3A_109, %select_n3A_97 : vector<16xf32>
      %eq3A_122 = arith.cmpf oeq, %get3A_109, %select_n3A_97 : vector<16xf32>
      %lt3A_123 = arith.cmpi slt, %get3A_120, %select_n3A_98 : vector<16xi32>
      %and3A_124 = arith.andi %eq3A_122, %lt3A_123 : vector<16xi1>
      %or3A_125 = arith.ori %gt3A_121, %and3A_124 : vector<16xi1>
      %select_n3A_126 = arith.select %or3A_125, %get3A_109, %select_n3A_97 : vector<16xi1>, vector<16xf32>
      %select_n3A_127 = arith.select %or3A_125, %get3A_120, %select_n3A_98 : vector<16xi1>, vector<16xi32>
      %swap3A_128 = arith.constant 0 : index
      %swap3A_129 = tpu.vector_load %arg11[%swap3A_128] {strides = array<i32>} : memref<32xf32, #tpu.memory_space<vmem>>, vector<16xf32>,
      %swap3A_130 = vector.shape_cast %swap3A_129 : vector<16xf32> to vector<16xf32>
      %swap3A_131 = vector.shape_cast %scan3A_16#4 : vector<16xf32> to vector<16xf32>
      tpu.vector_store %arg11[%swap3A_128], %swap3A_131 {strides = array<i32>} : memref<32xf32, #tpu.memory_space<vmem>>, vector<16xf32>,
      %swap3A_132 = arith.constant 16 : index
      %swap3A_133 = tpu.vector_load %arg11[%swap3A_132] {strides = array<i32>} : memref<32xf32, #tpu.memory_space<vmem>>, vector<16xf32>,
      %swap3A_134 = vector.shape_cast %swap3A_133 : vector<16xf32> to vector<16xf32>
      %swap3A_135 = vector.shape_cast %scan3A_16#4 : vector<16xf32> to vector<16xf32>
      tpu.vector_store %arg11[%swap3A_132], %swap3A_135 {strides = array<i32>} : memref<32xf32, #tpu.memory_space<vmem>>, vector<16xf32>,
      %get3A_136 = arith.constant 1 : index
      %get3A_137 = tpu.vector_load %arg11[%get3A_136] {strides = array<i32>} : memref<32xf32, #tpu.memory_space<vmem>>, vector<16xf32>,
      %get3A_138 = vector.shape_cast %get3A_137 : vector<16xf32> to vector<16xf32>
      %swap3A_139 = arith.constant 0 : index
      %swap3A_140 = tpu.vector_load %arg12[%swap3A_139] {strides = array<i32>} : memref<32xi32, #tpu.memory_space<vmem>>, vector<16xi32>,
      %swap3A_141 = vector.shape_cast %swap3A_140 : vector<16xi32> to vector<16xi32>
      %swap3A_142 = vector.shape_cast %scan3A_16#5 : vector<16xi32> to vector<16xi32>
      tpu.vector_store %arg12[%swap3A_139], %swap3A_142 {strides = array<i32>} : memref<32xi32, #tpu.memory_space<vmem>>, vector<16xi32>,
      %swap3A_143 = arith.constant 16 : index
      %swap3A_144 = tpu.vector_load %arg12[%swap3A_143] {strides = array<i32>} : memref<32xi32, #tpu.memory_space<vmem>>, vector<16xi32>,
      %swap3A_145 = vector.shape_cast %swap3A_144 : vector<16xi32> to vector<16xi32>
      %swap3A_146 = vector.shape_cast %scan3A_16#5 : vector<16xi32> to vector<16xi32>
      tpu.vector_store %arg12[%swap3A_143], %swap3A_146 {strides = array<i32>} : memref<32xi32, #tpu.memory_space<vmem>>, vector<16xi32>,
      %get3A_147 = arith.constant 1 : index
      %get3A_148 = tpu.vector_load %arg12[%get3A_147] {strides = array<i32>} : memref<32xi32, #tpu.memory_space<vmem>>, vector<16xi32>,
      %get3A_149 = vector.shape_cast %get3A_148 : vector<16xi32> to vector<16xi32>
      %lt3A_150 = arith.cmpf olt, %get3A_138, %scan3A_16#4 : vector<16xf32>
      %eq3A_151 = arith.cmpf oeq, %get3A_138, %scan3A_16#4 : vector<16xf32>
      %lt3A_152 = arith.cmpi slt, %get3A_149, %scan3A_16#5 : vector<16xi32>
      %and3A_153 = arith.andi %eq3A_151, %lt3A_152 : vector<16xi1>
      %or3A_154 = arith.ori %lt3A_150, %and3A_153 : vector<16xi1>
      %select_n3A_155 = arith.select %or3A_154, %get3A_138, %scan3A_16#4 : vector<16xi1>, vector<16xf32>
      %select_n3A_156 = arith.select %or3A_154, %get3A_149, %scan3A_16#5 : vector<16xi1>, vector<16xi32>
      %swap3A_157 = arith.constant 0 : index
      %swap3A_158 = tpu.vector_load %arg11[%swap3A_157] {strides = array<i32>} : memref<32xf32, #tpu.memory_space<vmem>>, vector<16xf32>,
      %swap3A_159 = vector.shape_cast %swap3A_158 : vector<16xf32> to vector<16xf32>
      %swap3A_160 = vector.shape_cast %select_n3A_155 : vector<16xf32> to vector<16xf32>
      tpu.vector_store %arg11[%swap3A_157], %swap3A_160 {strides = array<i32>} : memref<32xf32, #tpu.memory_space<vmem>>, vector<16xf32>,
      %swap3A_161 = arith.constant 16 : index
      %swap3A_162 = tpu.vector_load %arg11[%swap3A_161] {strides = array<i32>} : memref<32xf32, #tpu.memory_space<vmem>>, vector<16xf32>,
      %swap3A_163 = vector.shape_cast %swap3A_162 : vector<16xf32> to vector<16xf32>
      %swap3A_164 = vector.shape_cast %select_n3A_155 : vector<16xf32> to vector<16xf32>
      tpu.vector_store %arg11[%swap3A_161], %swap3A_164 {strides = array<i32>} : memref<32xf32, #tpu.memory_space<vmem>>, vector<16xf32>,
      %get3A_165 = arith.constant 2 : index
      %get3A_166 = tpu.vector_load %arg11[%get3A_165] {strides = array<i32>} : memref<32xf32, #tpu.memory_space<vmem>>, vector<16xf32>,
      %get3A_167 = vector.shape_cast %get3A_166 : vector<16xf32> to vector<16xf32>
      %swap3A_168 = arith.constant 0 : index
      %swap3A_169 = tpu.vector_load %arg12[%swap3A_168] {strides = array<i32>} : memref<32xi32, #tpu.memory_space<vmem>>, vector<16xi32>,
      %swap3A_170 = vector.shape_cast %swap3A_169 : vector<16xi32> to vector<16xi32>
      %swap3A_171 = vector.shape_cast %select_n3A_156 : vector<16xi32> to vector<16xi32>
      tpu.vector_store %arg12[%swap3A_168], %swap3A_171 {strides = array<i32>} : memref<32xi32, #tpu.memory_space<vmem>>, vector<16xi32>,
      %swap3A_172 = arith.constant 16 : index
      %swap3A_173 = tpu.vector_load %arg12[%swap3A_172] {strides = array<i32>} : memref<32xi32, #tpu.memory_space<vmem>>, vector<16xi32>,
      %swap3A_174 = vector.shape_cast %swap3A_173 : vector<16xi32> to vector<16xi32>
      %swap3A_175 = vector.shape_cast %select_n3A_156 : vector<16xi32> to vector<16xi32>
      tpu.vector_store %arg12[%swap3A_172], %swap3A_175 {strides = array<i32>} : memref<32xi32, #tpu.memory_space<vmem>>, vector<16xi32>,
      %get3A_176 = arith.constant 2 : index
      %get3A_177 = tpu.vector_load %arg12[%get3A_176] {strides = array<i32>} : memref<32xi32, #tpu.memory_space<vmem>>, vector<16xi32>,
      %get3A_178 = vector.shape_cast %get3A_177 : vector<16xi32> to vector<16xi32>
      %lt3A_179 = arith.cmpf olt, %get3A_167, %select_n3A_155 : vector<16xf32>
      %eq3A_180 = arith.cmpf oeq, %get3A_167, %select_n3A_155 : vector<16xf32>
      %lt3A_181 = arith.cmpi slt, %get3A_178, %select_n3A_156 : vector<16xi32>
      %and3A_182 = arith.andi %eq3A_180, %lt3A_181 : vector<16xi1>
      %or3A_183 = arith.ori %lt3A_179, %and3A_182 : vector<16xi1>
      %select_n3A_184 = arith.select %or3A_183, %get3A_167, %select_n3A_155 : vector<16xi1>, vector<16xf32>
      %select_n3A_185 = arith.select %or3A_183, %get3A_178, %select_n3A_156 : vector<16xi1>, vector<16xi32>
      %swap3A_186 = arith.constant 0 : index
      %swap3A_187 = tpu.vector_load %arg11[%swap3A_186] {strides = array<i32>} : memref<32xf32, #tpu.memory_space<vmem>>, vector<16xf32>,
      %swap3A_188 = vector.shape_cast %swap3A_187 : vector<16xf32> to vector<16xf32>
      %swap3A_189 = vector.shape_cast %select_n3A_184 : vector<16xf32> to vector<16xf32>
      tpu.vector_store %arg11[%swap3A_186], %swap3A_189 {strides = array<i32>} : memref<32xf32, #tpu.memory_space<vmem>>, vector<16xf32>,
      %swap3A_190 = arith.constant 16 : index
      %swap3A_191 = tpu.vector_load %arg11[%swap3A_190] {strides = array<i32>} : memref<32xf32, #tpu.memory_space<vmem>>, vector<16xf32>,
      %swap3A_192 = vector.shape_cast %swap3A_191 : vector<16xf32> to vector<16xf32>
      %swap3A_193 = vector.shape_cast %select_n3A_184 : vector<16xf32> to vector<16xf32>
      tpu.vector_store %arg11[%swap3A_190], %swap3A_193 {strides = array<i32>} : memref<32xf32, #tpu.memory_space<vmem>>, vector<16xf32>,
      %get3A_194 = arith.constant 4 : index
      %get3A_195 = tpu.vector_load %arg11[%get3A_194] {strides = array<i32>} : memref<32xf32, #tpu.memory_space<vmem>>, vector<16xf32>,
      %get3A_196 = vector.shape_cast %get3A_195 : vector<16xf32> to vector<16xf32>
      %swap3A_197 = arith.constant 0 : index
      %swap3A_198 = tpu.vector_load %arg12[%swap3A_197] {strides = array<i32>} : memref<32xi32, #tpu.memory_space<vmem>>, vector<16xi32>,
      %swap3A_199 = vector.shape_cast %swap3A_198 : vector<16xi32> to vector<16xi32>
      %swap3A_200 = vector.shape_cast %select_n3A_185 : vector<16xi32> to vector<16xi32>
      tpu.vector_store %arg12[%swap3A_197], %swap3A_200 {strides = array<i32>} : memref<32xi32, #tpu.memory_space<vmem>>, vector<16xi32>,
      %swap3A_201 = arith.constant 16 : index
      %swap3A_202 = tpu.vector_load %arg12[%swap3A_201] {strides = array<i32>} : memref<32xi32, #tpu.memory_space<vmem>>, vector<16xi32>,
      %swap3A_203 = vector.shape_cast %swap3A_202 : vector<16xi32> to vector<16xi32>
      %swap3A_204 = vector.shape_cast %select_n3A_185 : vector<16xi32> to vector<16xi32>
      tpu.vector_store %arg12[%swap3A_201], %swap3A_204 {strides = array<i32>} : memref<32xi32, #tpu.memory_space<vmem>>, vector<16xi32>,
      %get3A_205 = arith.constant 4 : index
      %get3A_206 = tpu.vector_load %arg12[%get3A_205] {strides = array<i32>} : memref<32xi32, #tpu.memory_space<vmem>>, vector<16xi32>,
      %get3A_207 = vector.shape_cast %get3A_206 : vector<16xi32> to vector<16xi32>
      %lt3A_208 = arith.cmpf olt, %get3A_196, %select_n3A_184 : vector<16xf32>
      %eq3A_209 = arith.cmpf oeq, %get3A_196, %select_n3A_184 : vector<16xf32>
      %lt3A_210 = arith.cmpi slt, %get3A_207, %select_n3A_185 : vector<16xi32>
      %and3A_211 = arith.andi %eq3A_209, %lt3A_210 : vector<16xi1>
      %or3A_212 = arith.ori %lt3A_208, %and3A_211 : vector<16xi1>
      %select_n3A_213 = arith.select %or3A_212, %get3A_196, %select_n3A_184 : vector<16xi1>, vector<16xf32>
      %select_n3A_214 = arith.select %or3A_212, %get3A_207, %select_n3A_185 : vector<16xi1>, vector<16xi32>
      %swap3A_215 = arith.constant 0 : index
      %swap3A_216 = tpu.vector_load %arg11[%swap3A_215] {strides = array<i32>} : memref<32xf32, #tpu.memory_space<vmem>>, vector<16xf32>,
      %swap3A_217 = vector.shape_cast %swap3A_216 : vector<16xf32> to vector<16xf32>
      %swap3A_218 = vector.shape_cast %select_n3A_213 : vector<16xf32> to vector<16xf32>
      tpu.vector_store %arg11[%swap3A_215], %swap3A_218 {strides = array<i32>} : memref<32xf32, #tpu.memory_space<vmem>>, vector<16xf32>,
      %swap3A_219 = arith.constant 16 : index
      %swap3A_220 = tpu.vector_load %arg11[%swap3A_219] {strides = array<i32>} : memref<32xf32, #tpu.memory_space<vmem>>, vector<16xf32>,
      %swap3A_221 = vector.shape_cast %swap3A_220 : vector<16xf32> to vector<16xf32>
      %swap3A_222 = vector.shape_cast %select_n3A_213 : vector<16xf32> to vector<16xf32>
      tpu.vector_store %arg11[%swap3A_219], %swap3A_222 {strides = array<i32>} : memref<32xf32, #tpu.memory_space<vmem>>, vector<16xf32>,
      %get3A_223 = arith.constant 8 : index
      %get3A_224 = tpu.vector_load %arg11[%get3A_223] {strides = array<i32>} : memref<32xf32, #tpu.memory_space<vmem>>, vector<16xf32>,
      %get3A_225 = vector.shape_cast %get3A_224 : vector<16xf32> to vector<16xf32>
      %swap3A_226 = arith.constant 0 : index
      %swap3A_227 = tpu.vector_load %arg12[%swap3A_226] {strides = array<i32>} : memref<32xi32, #tpu.memory_space<vmem>>, vector<16xi32>,
      %swap3A_228 = vector.shape_cast %swap3A_227 : vector<16xi32> to vector<16xi32>
      %swap3A_229 = vector.shape_cast %select_n3A_214 : vector<16xi32> to vector<16xi32>
      tpu.vector_store %arg12[%swap3A_226], %swap3A_229 {strides = array<i32>} : memref<32xi32, #tpu.memory_space<vmem>>, vector<16xi32>,
      %swap3A_230 = arith.constant 16 : index
      %swap3A_231 = tpu.vector_load %arg12[%swap3A_230] {strides = array<i32>} : memref<32xi32, #tpu.memory_space<vmem>>, vector<16xi32>,
      %swap3A_232 = vector.shape_cast %swap3A_231 : vector<16xi32> to vector<16xi32>
      %swap3A_233 = vector.shape_cast %select_n3A_214 : vector<16xi32> to vector<16xi32>
      tpu.vector_store %arg12[%swap3A_230], %swap3A_233 {strides = array<i32>} : memref<32xi32, #tpu.memory_space<vmem>>, vector<16xi32>,
      %get3A_234 = arith.constant 8 : index
      %get3A_235 = tpu.vector_load %arg12[%get3A_234] {strides = array<i32>} : memref<32xi32, #tpu.memory_space<vmem>>, vector<16xi32>,
      %get3A_236 = vector.shape_cast %get3A_235 : vector<16xi32> to vector<16xi32>
      %lt3A_237 = arith.cmpf olt, %get3A_225, %select_n3A_213 : vector<16xf32>
      %eq3A_238 = arith.cmpf oeq, %get3A_225, %select_n3A_213 : vector<16xf32>
      %lt3A_239 = arith.cmpi slt, %get3A_236, %select_n3A_214 : vector<16xi32>
      %and3A_240 = arith.andi %eq3A_238, %lt3A_239 : vector<16xi1>
      %or3A_241 = arith.ori %lt3A_237, %and3A_240 : vector<16xi1>
      %select_n3A_242 = arith.select %or3A_241, %get3A_225, %select_n3A_213 : vector<16xi1>, vector<16xf32>
      %select_n3A_243 = arith.select %or3A_241, %get3A_236, %select_n3A_214 : vector<16xi1>, vector<16xi32>
      %eq3A_244 = arith.cmpf oeq, %scan3A_16#0, %select_n3A_126 : vector<16xf32>
      %eq3A_245 = arith.cmpi eq, %scan3A_16#1, %select_n3A_127 : vector<16xi32>
      %and3A_246 = arith.andi %eq3A_244, %eq3A_245 : vector<16xi1>
      %select_n3A_247 = arith.select %and3A_246, %scan3A_16#2, %scan3A_16#0 : vector<16xi1>, vector<16xf32>
      %select_n3A_248 = arith.select %and3A_246, %scan3A_16#3, %scan3A_16#1 : vector<16xi1>, vector<16xi32>
      %swap3A_249 = arith.constant 0 : index
      %swap3A_250 = tpu.vector_load %arg11[%swap3A_249] {strides = array<i32>} : memref<32xf32, #tpu.memory_space<vmem>>, vector<16xf32>,
      %swap3A_251 = vector.shape_cast %swap3A_250 : vector<16xf32> to vector<16xf32>
      %swap3A_252 = vector.shape_cast %select_n3A_247 : vector<16xf32> to vector<16xf32>
      tpu.vector_store %arg11[%swap3A_249], %swap3A_252 {strides = array<i32>} : memref<32xf32, #tpu.memory_space<vmem>>, vector<16xf32>,
      %swap3A_253 = arith.constant 16 : index
      %swap3A_254 = tpu.vector_load %arg11[%swap3A_253] {strides = array<i32>} : memref<32xf32, #tpu.memory_space<vmem>>, vector<16xf32>,
      %swap3A_255 = vector.shape_cast %swap3A_254 : vector<16xf32> to vector<16xf32>
      %swap3A_256 = vector.shape_cast %select_n3A_247 : vector<16xf32> to vector<16xf32>
      tpu.vector_store %arg11[%swap3A_253], %swap3A_256 {strides = array<i32>} : memref<32xf32, #tpu.memory_space<vmem>>, vector<16xf32>,
      %get3A_257 = arith.constant 1 : index
      %get3A_258 = tpu.vector_load %arg11[%get3A_257] {strides = array<i32>} : memref<32xf32, #tpu.memory_space<vmem>>, vector<16xf32>,
      %get3A_259 = vector.shape_cast %get3A_258 : vector<16xf32> to vector<16xf32>
      %swap3A_260 = arith.constant 0 : index
      %swap3A_261 = tpu.vector_load %arg12[%swap3A_260] {strides = array<i32>} : memref<32xi32, #tpu.memory_space<vmem>>, vector<16xi32>,
      %swap3A_262 = vector.shape_cast %swap3A_261 : vector<16xi32> to vector<16xi32>
      %swap3A_263 = vector.shape_cast %select_n3A_248 : vector<16xi32> to vector<16xi32>
      tpu.vector_store %arg12[%swap3A_260], %swap3A_263 {strides = array<i32>} : memref<32xi32, #tpu.memory_space<vmem>>, vector<16xi32>,
      %swap3A_264 = arith.constant 16 : index
      %swap3A_265 = tpu.vector_load %arg12[%swap3A_264] {strides = array<i32>} : memref<32xi32, #tpu.memory_space<vmem>>, vector<16xi32>,
      %swap3A_266 = vector.shape_cast %swap3A_265 : vector<16xi32> to vector<16xi32>
      %swap3A_267 = vector.shape_cast %select_n3A_248 : vector<16xi32> to vector<16xi32>
      tpu.vector_store %arg12[%swap3A_264], %swap3A_267 {strides = array<i32>} : memref<32xi32, #tpu.memory_space<vmem>>, vector<16xi32>,
      %get3A_268 = arith.constant 1 : index
      %get3A_269 = tpu.vector_load %arg12[%get3A_268] {strides = array<i32>} : memref<32xi32, #tpu.memory_space<vmem>>, vector<16xi32>,
      %get3A_270 = vector.shape_cast %get3A_269 : vector<16xi32> to vector<16xi32>
      %gt3A_271 = arith.cmpf ogt, %get3A_259, %select_n3A_247 : vector<16xf32>
      %eq3A_272 = arith.cmpf oeq, %get3A_259, %select_n3A_247 : vector<16xf32>
      %lt3A_273 = arith.cmpi slt, %get3A_270, %select_n3A_248 : vector<16xi32>
      %and3A_274 = arith.andi %eq3A_272, %lt3A_273 : vector<16xi1>
      %or3A_275 = arith.ori %gt3A_271, %and3A_274 : vector<16xi1>
      %select_n3A_276 = arith.select %or3A_275, %get3A_259, %select_n3A_247 : vector<16xi1>, vector<16xf32>
      %select_n3A_277 = arith.select %or3A_275, %get3A_270, %select_n3A_248 : vector<16xi1>, vector<16xi32>
      %swap3A_278 = arith.constant 0 : index
      %swap3A_279 = tpu.vector_load %arg11[%swap3A_278] {strides = array<i32>} : memref<32xf32, #tpu.memory_space<vmem>>, vector<16xf32>,
      %swap3A_280 = vector.shape_cast %swap3A_279 : vector<16xf32> to vector<16xf32>
      %swap3A_281 = vector.shape_cast %select_n3A_276 : vector<16xf32> to vector<16xf32>
      tpu.vector_store %arg11[%swap3A_278], %swap3A_281 {strides = array<i32>} : memref<32xf32, #tpu.memory_space<vmem>>, vector<16xf32>,
      %swap3A_282 = arith.constant 16 : index
      %swap3A_283 = tpu.vector_load %arg11[%swap3A_282] {strides = array<i32>} : memref<32xf32, #tpu.memory_space<vmem>>, vector<16xf32>,
      %swap3A_284 = vector.shape_cast %swap3A_283 : vector<16xf32> to vector<16xf32>
      %swap3A_285 = vector.shape_cast %select_n3A_276 : vector<16xf32> to vector<16xf32>
      tpu.vector_store %arg11[%swap3A_282], %swap3A_285 {strides = array<i32>} : memref<32xf32, #tpu.memory_space<vmem>>, vector<16xf32>,
      %get3A_286 = arith.constant 2 : index
      %get3A_287 = tpu.vector_load %arg11[%get3A_286] {strides = array<i32>} : memref<32xf32, #tpu.memory_space<vmem>>, vector<16xf32>,
      %get3A_288 = vector.shape_cast %get3A_287 : vector<16xf32> to vector<16xf32>
      %swap3A_289 = arith.constant 0 : index
      %swap3A_290 = tpu.vector_load %arg12[%swap3A_289] {strides = array<i32>} : memref<32xi32, #tpu.memory_space<vmem>>, vector<16xi32>,
      %swap3A_291 = vector.shape_cast %swap3A_290 : vector<16xi32> to vector<16xi32>
      %swap3A_292 = vector.shape_cast %select_n3A_277 : vector<16xi32> to vector<16xi32>
      tpu.vector_store %arg12[%swap3A_289], %swap3A_292 {strides = array<i32>} : memref<32xi32, #tpu.memory_space<vmem>>, vector<16xi32>,
      %swap3A_293 = arith.constant 16 : index
      %swap3A_294 = tpu.vector_load %arg12[%swap3A_293] {strides = array<i32>} : memref<32xi32, #tpu.memory_space<vmem>>, vector<16xi32>,
      %swap3A_295 = vector.shape_cast %swap3A_294 : vector<16xi32> to vector<16xi32>
      %swap3A_296 = vector.shape_cast %select_n3A_277 : vector<16xi32> to vector<16xi32>
      tpu.vector_store %arg12[%swap3A_293], %swap3A_296 {strides = array<i32>} : memref<32xi32, #tpu.memory_space<vmem>>, vector<16xi32>,
      %get3A_297 = arith.constant 2 : index
      %get3A_298 = tpu.vector_load %arg12[%get3A_297] {strides = array<i32>} : memref<32xi32, #tpu.memory_space<vmem>>, vector<16xi32>,
      %get3A_299 = vector.shape_cast %get3A_298 : vector<16xi32> to vector<16xi32>
      %gt3A_300 = arith.cmpf ogt, %get3A_288, %select_n3A_276 : vector<16xf32>
      %eq3A_301 = arith.cmpf oeq, %get3A_288, %select_n3A_276 : vector<16xf32>
      %lt3A_302 = arith.cmpi slt, %get3A_299, %select_n3A_277 : vector<16xi32>
      %and3A_303 = arith.andi %eq3A_301, %lt3A_302 : vector<16xi1>
      %or3A_304 = arith.ori %gt3A_300, %and3A_303 : vector<16xi1>
      %select_n3A_305 = arith.select %or3A_304, %get3A_288, %select_n3A_276 : vector<16xi1>, vector<16xf32>
      %select_n3A_306 = arith.select %or3A_304, %get3A_299, %select_n3A_277 : vector<16xi1>, vector<16xi32>
      %swap3A_307 = arith.constant 0 : index
      %swap3A_308 = tpu.vector_load %arg11[%swap3A_307] {strides = array<i32>} : memref<32xf32, #tpu.memory_space<vmem>>, vector<16xf32>,
      %swap3A_309 = vector.shape_cast %swap3A_308 : vector<16xf32> to vector<16xf32>
      %swap3A_310 = vector.shape_cast %select_n3A_305 : vector<16xf32> to vector<16xf32>
      tpu.vector_store %arg11[%swap3A_307], %swap3A_310 {strides = array<i32>} : memref<32xf32, #tpu.memory_space<vmem>>, vector<16xf32>,
      %swap3A_311 = arith.constant 16 : index
      %swap3A_312 = tpu.vector_load %arg11[%swap3A_311] {strides = array<i32>} : memref<32xf32, #tpu.memory_space<vmem>>, vector<16xf32>,
      %swap3A_313 = vector.shape_cast %swap3A_312 : vector<16xf32> to vector<16xf32>
      %swap3A_314 = vector.shape_cast %select_n3A_305 : vector<16xf32> to vector<16xf32>
      tpu.vector_store %arg11[%swap3A_311], %swap3A_314 {strides = array<i32>} : memref<32xf32, #tpu.memory_space<vmem>>, vector<16xf32>,
      %get3A_315 = arith.constant 4 : index
      %get3A_316 = tpu.vector_load %arg11[%get3A_315] {strides = array<i32>} : memref<32xf32, #tpu.memory_space<vmem>>, vector<16xf32>,
      %get3A_317 = vector.shape_cast %get3A_316 : vector<16xf32> to vector<16xf32>
      %swap3A_318 = arith.constant 0 : index
      %swap3A_319 = tpu.vector_load %arg12[%swap3A_318] {strides = array<i32>} : memref<32xi32, #tpu.memory_space<vmem>>, vector<16xi32>,
      %swap3A_320 = vector.shape_cast %swap3A_319 : vector<16xi32> to vector<16xi32>
      %swap3A_321 = vector.shape_cast %select_n3A_306 : vector<16xi32> to vector<16xi32>
      tpu.vector_store %arg12[%swap3A_318], %swap3A_321 {strides = array<i32>} : memref<32xi32, #tpu.memory_space<vmem>>, vector<16xi32>,
      %swap3A_322 = arith.constant 16 : index
      %swap3A_323 = tpu.vector_load %arg12[%swap3A_322] {strides = array<i32>} : memref<32xi32, #tpu.memory_space<vmem>>, vector<16xi32>,
      %swap3A_324 = vector.shape_cast %swap3A_323 : vector<16xi32> to vector<16xi32>
      %swap3A_325 = vector.shape_cast %select_n3A_306 : vector<16xi32> to vector<16xi32>
      tpu.vector_store %arg12[%swap3A_322], %swap3A_325 {strides = array<i32>} : memref<32xi32, #tpu.memory_space<vmem>>, vector<16xi32>,
      %get3A_326 = arith.constant 4 : index
      %get3A_327 = tpu.vector_load %arg12[%get3A_326] {strides = array<i32>} : memref<32xi32, #tpu.memory_space<vmem>>, vector<16xi32>,
      %get3A_328 = vector.shape_cast %get3A_327 : vector<16xi32> to vector<16xi32>
      %gt3A_329 = arith.cmpf ogt, %get3A_317, %select_n3A_305 : vector<16xf32>
      %eq3A_330 = arith.cmpf oeq, %get3A_317, %select_n3A_305 : vector<16xf32>
      %lt3A_331 = arith.cmpi slt, %get3A_328, %select_n3A_306 : vector<16xi32>
      %and3A_332 = arith.andi %eq3A_330, %lt3A_331 : vector<16xi1>
      %or3A_333 = arith.ori %gt3A_329, %and3A_332 : vector<16xi1>
      %select_n3A_334 = arith.select %or3A_333, %get3A_317, %select_n3A_305 : vector<16xi1>, vector<16xf32>
      %select_n3A_335 = arith.select %or3A_333, %get3A_328, %select_n3A_306 : vector<16xi1>, vector<16xi32>
      %swap3A_336 = arith.constant 0 : index
      %swap3A_337 = tpu.vector_load %arg11[%swap3A_336] {strides = array<i32>} : memref<32xf32, #tpu.memory_space<vmem>>, vector<16xf32>,
      %swap3A_338 = vector.shape_cast %swap3A_337 : vector<16xf32> to vector<16xf32>
      %swap3A_339 = vector.shape_cast %select_n3A_334 : vector<16xf32> to vector<16xf32>
      tpu.vector_store %arg11[%swap3A_336], %swap3A_339 {strides = array<i32>} : memref<32xf32, #tpu.memory_space<vmem>>, vector<16xf32>,
      %swap3A_340 = arith.constant 16 : index
      %swap3A_341 = tpu.vector_load %arg11[%swap3A_340] {strides = array<i32>} : memref<32xf32, #tpu.memory_space<vmem>>, vector<16xf32>,
      %swap3A_342 = vector.shape_cast %swap3A_341 : vector<16xf32> to vector<16xf32>
      %swap3A_343 = vector.shape_cast %select_n3A_334 : vector<16xf32> to vector<16xf32>
      tpu.vector_store %arg11[%swap3A_340], %swap3A_343 {strides = array<i32>} : memref<32xf32, #tpu.memory_space<vmem>>, vector<16xf32>,
      %get3A_344 = arith.constant 8 : index
      %get3A_345 = tpu.vector_load %arg11[%get3A_344] {strides = array<i32>} : memref<32xf32, #tpu.memory_space<vmem>>, vector<16xf32>,
      %get3A_346 = vector.shape_cast %get3A_345 : vector<16xf32> to vector<16xf32>
      %swap3A_347 = arith.constant 0 : index
      %swap3A_348 = tpu.vector_load %arg12[%swap3A_347] {strides = array<i32>} : memref<32xi32, #tpu.memory_space<vmem>>, vector<16xi32>,
      %swap3A_349 = vector.shape_cast %swap3A_348 : vector<16xi32> to vector<16xi32>
      %swap3A_350 = vector.shape_cast %select_n3A_335 : vector<16xi32> to vector<16xi32>
      tpu.vector_store %arg12[%swap3A_347], %swap3A_350 {strides = array<i32>} : memref<32xi32, #tpu.memory_space<vmem>>, vector<16xi32>,
      %swap3A_351 = arith.constant 16 : index
      %swap3A_352 = tpu.vector_load %arg12[%swap3A_351] {strides = array<i32>} : memref<32xi32, #tpu.memory_space<vmem>>, vector<16xi32>,
      %swap3A_353 = vector.shape_cast %swap3A_352 : vector<16xi32> to vector<16xi32>
      %swap3A_354 = vector.shape_cast %select_n3A_335 : vector<16xi32> to vector<16xi32>
      tpu.vector_store %arg12[%swap3A_351], %swap3A_354 {strides = array<i32>} : memref<32xi32, #tpu.memory_space<vmem>>, vector<16xi32>,
      %get3A_355 = arith.constant 8 : index
      %get3A_356 = tpu.vector_load %arg12[%get3A_355] {strides = array<i32>} : memref<32xi32, #tpu.memory_space<vmem>>, vector<16xi32>,
      %get3A_357 = vector.shape_cast %get3A_356 : vector<16xi32> to vector<16xi32>
      %gt3A_358 = arith.cmpf ogt, %get3A_346, %select_n3A_334 : vector<16xf32>
      %eq3A_359 = arith.cmpf oeq, %get3A_346, %select_n3A_334 : vector<16xf32>
      %lt3A_360 = arith.cmpi slt, %get3A_357, %select_n3A_335 : vector<16xi32>
      %and3A_361 = arith.andi %eq3A_359, %lt3A_360 : vector<16xi1>
      %or3A_362 = arith.ori %gt3A_358, %and3A_361 : vector<16xi1>
      %select_n3A_363 = arith.select %or3A_362, %get3A_346, %select_n3A_334 : vector<16xi1>, vector<16xf32>
      %select_n3A_364 = arith.select %or3A_362, %get3A_357, %select_n3A_335 : vector<16xi1>, vector<16xi32>
      %eq3A_365 = arith.cmpf oeq, %scan3A_16#4, %select_n3A_242 : vector<16xf32>
      %eq3A_366 = arith.cmpi eq, %scan3A_16#5, %select_n3A_243 : vector<16xi32>
      %and3A_367 = arith.andi %eq3A_365, %eq3A_366 : vector<16xi1>
      %select_n3A_368 = arith.select %and3A_367, %scan3A_16#6, %scan3A_16#4 : vector<16xi1>, vector<16xf32>
      %select_n3A_369 = arith.select %and3A_367, %scan3A_16#7, %scan3A_16#5 : vector<16xi1>, vector<16xi32>
      %swap3A_370 = arith.constant 0 : index
      %swap3A_371 = tpu.vector_load %arg11[%swap3A_370] {strides = array<i32>} : memref<32xf32, #tpu.memory_space<vmem>>, vector<16xf32>,
      %swap3A_372 = vector.shape_cast %swap3A_371 : vector<16xf32> to vector<16xf32>
      %swap3A_373 = vector.shape_cast %select_n3A_368 : vector<16xf32> to vector<16xf32>
      tpu.vector_store %arg11[%swap3A_370], %swap3A_373 {strides = array<i32>} : memref<32xf32, #tpu.memory_space<vmem>>, vector<16xf32>,
      %swap3A_374 = arith.constant 16 : index
      %swap3A_375 = tpu.vector_load %arg11[%swap3A_374] {strides = array<i32>} : memref<32xf32, #tpu.memory_space<vmem>>, vector<16xf32>,
      %swap3A_376 = vector.shape_cast %swap3A_375 : vector<16xf32> to vector<16xf32>
      %swap3A_377 = vector.shape_cast %select_n3A_368 : vector<16xf32> to vector<16xf32>
      tpu.vector_store %arg11[%swap3A_374], %swap3A_377 {strides = array<i32>} : memref<32xf32, #tpu.memory_space<vmem>>, vector<16xf32>,
      %get3A_378 = arith.constant 1 : index
      %get3A_379 = tpu.vector_load %arg11[%get3A_378] {strides = array<i32>} : memref<32xf32, #tpu.memory_space<vmem>>, vector<16xf32>,
      %get3A_380 = vector.shape_cast %get3A_379 : vector<16xf32> to vector<16xf32>
      %swap3A_381 = arith.constant 0 : index
      %swap3A_382 = tpu.vector_load %arg12[%swap3A_381] {strides = array<i32>} : memref<32xi32, #tpu.memory_space<vmem>>, vector<16xi32>,
      %swap3A_383 = vector.shape_cast %swap3A_382 : vector<16xi32> to vector<16xi32>
      %swap3A_384 = vector.shape_cast %select_n3A_369 : vector<16xi32> to vector<16xi32>
      tpu.vector_store %arg12[%swap3A_381], %swap3A_384 {strides = array<i32>} : memref<32xi32, #tpu.memory_space<vmem>>, vector<16xi32>,
      %swap3A_385 = arith.constant 16 : index
      %swap3A_386 = tpu.vector_load %arg12[%swap3A_385] {strides = array<i32>} : memref<32xi32, #tpu.memory_space<vmem>>, vector<16xi32>,
      %swap3A_387 = vector.shape_cast %swap3A_386 : vector<16xi32> to vector<16xi32>
      %swap3A_388 = vector.shape_cast %select_n3A_369 : vector<16xi32> to vector<16xi32>
      tpu.vector_store %arg12[%swap3A_385], %swap3A_388 {strides = array<i32>} : memref<32xi32, #tpu.memory_space<vmem>>, vector<16xi32>,
      %get3A_389 = arith.constant 1 : index
      %get3A_390 = tpu.vector_load %arg12[%get3A_389] {strides = array<i32>} : memref<32xi32, #tpu.memory_space<vmem>>, vector<16xi32>,
      %get3A_391 = vector.shape_cast %get3A_390 : vector<16xi32> to vector<16xi32>
      %lt3A_392 = arith.cmpf olt, %get3A_380, %select_n3A_368 : vector<16xf32>
      %eq3A_393 = arith.cmpf oeq, %get3A_380, %select_n3A_368 : vector<16xf32>
      %lt3A_394 = arith.cmpi slt, %get3A_391, %select_n3A_369 : vector<16xi32>
      %and3A_395 = arith.andi %eq3A_393, %lt3A_394 : vector<16xi1>
      %or3A_396 = arith.ori %lt3A_392, %and3A_395 : vector<16xi1>
      %select_n3A_397 = arith.select %or3A_396, %get3A_380, %select_n3A_368 : vector<16xi1>, vector<16xf32>
      %select_n3A_398 = arith.select %or3A_396, %get3A_391, %select_n3A_369 : vector<16xi1>, vector<16xi32>
      %swap3A_399 = arith.constant 0 : index
      %swap3A_400 = tpu.vector_load %arg11[%swap3A_399] {strides = array<i32>} : memref<32xf32, #tpu.memory_space<vmem>>, vector<16xf32>,
      %swap3A_401 = vector.shape_cast %swap3A_400 : vector<16xf32> to vector<16xf32>
      %swap3A_402 = vector.shape_cast %select_n3A_397 : vector<16xf32> to vector<16xf32>
      tpu.vector_store %arg11[%swap3A_399], %swap3A_402 {strides = array<i32>} : memref<32xf32, #tpu.memory_space<vmem>>, vector<16xf32>,
      %swap3A_403 = arith.constant 16 : index
      %swap3A_404 = tpu.vector_load %arg11[%swap3A_403] {strides = array<i32>} : memref<32xf32, #tpu.memory_space<vmem>>, vector<16xf32>,
      %swap3A_405 = vector.shape_cast %swap3A_404 : vector<16xf32> to vector<16xf32>
      %swap3A_406 = vector.shape_cast %select_n3A_397 : vector<16xf32> to vector<16xf32>
      tpu.vector_store %arg11[%swap3A_403], %swap3A_406 {strides = array<i32>} : memref<32xf32, #tpu.memory_space<vmem>>, vector<16xf32>,
      %get3A_407 = arith.constant 2 : index
      %get3A_408 = tpu.vector_load %arg11[%get3A_407] {strides = array<i32>} : memref<32xf32, #tpu.memory_space<vmem>>, vector<16xf32>,
      %get3A_409 = vector.shape_cast %get3A_408 : vector<16xf32> to vector<16xf32>
      %swap3A_410 = arith.constant 0 : index
      %swap3A_411 = tpu.vector_load %arg12[%swap3A_410] {strides = array<i32>} : memref<32xi32, #tpu.memory_space<vmem>>, vector<16xi32>,
      %swap3A_412 = vector.shape_cast %swap3A_411 : vector<16xi32> to vector<16xi32>
      %swap3A_413 = vector.shape_cast %select_n3A_398 : vector<16xi32> to vector<16xi32>
      tpu.vector_store %arg12[%swap3A_410], %swap3A_413 {strides = array<i32>} : memref<32xi32, #tpu.memory_space<vmem>>, vector<16xi32>,
      %swap3A_414 = arith.constant 16 : index
      %swap3A_415 = tpu.vector_load %arg12[%swap3A_414] {strides = array<i32>} : memref<32xi32, #tpu.memory_space<vmem>>, vector<16xi32>,
      %swap3A_416 = vector.shape_cast %swap3A_415 : vector<16xi32> to vector<16xi32>
      %swap3A_417 = vector.shape_cast %select_n3A_398 : vector<16xi32> to vector<16xi32>
      tpu.vector_store %arg12[%swap3A_414], %swap3A_417 {strides = array<i32>} : memref<32xi32, #tpu.memory_space<vmem>>, vector<16xi32>,
      %get3A_418 = arith.constant 2 : index
      %get3A_419 = tpu.vector_load %arg12[%get3A_418] {strides = array<i32>} : memref<32xi32, #tpu.memory_space<vmem>>, vector<16xi32>,
      %get3A_420 = vector.shape_cast %get3A_419 : vector<16xi32> to vector<16xi32>
      %lt3A_421 = arith.cmpf olt, %get3A_409, %select_n3A_397 : vector<16xf32>
      %eq3A_422 = arith.cmpf oeq, %get3A_409, %select_n3A_397 : vector<16xf32>
      %lt3A_423 = arith.cmpi slt, %get3A_420, %select_n3A_398 : vector<16xi32>
      %and3A_424 = arith.andi %eq3A_422, %lt3A_423 : vector<16xi1>
      %or3A_425 = arith.ori %lt3A_421, %and3A_424 : vector<16xi1>
      %select_n3A_426 = arith.select %or3A_425, %get3A_409, %select_n3A_397 : vector<16xi1>, vector<16xf32>
      %select_n3A_427 = arith.select %or3A_425, %get3A_420, %select_n3A_398 : vector<16xi1>, vector<16xi32>
      %swap3A_428 = arith.constant 0 : index
      %swap3A_429 = tpu.vector_load %arg11[%swap3A_428] {strides = array<i32>} : memref<32xf32, #tpu.memory_space<vmem>>, vector<16xf32>,
      %swap3A_430 = vector.shape_cast %swap3A_429 : vector<16xf32> to vector<16xf32>
      %swap3A_431 = vector.shape_cast %select_n3A_426 : vector<16xf32> to vector<16xf32>
      tpu.vector_store %arg11[%swap3A_428], %swap3A_431 {strides = array<i32>} : memref<32xf32, #tpu.memory_space<vmem>>, vector<16xf32>,
      %swap3A_432 = arith.constant 16 : index
      %swap3A_433 = tpu.vector_load %arg11[%swap3A_432] {strides = array<i32>} : memref<32xf32, #tpu.memory_space<vmem>>, vector<16xf32>,
      %swap3A_434 = vector.shape_cast %swap3A_433 : vector<16xf32> to vector<16xf32>
      %swap3A_435 = vector.shape_cast %select_n3A_426 : vector<16xf32> to vector<16xf32>
      tpu.vector_store %arg11[%swap3A_432], %swap3A_435 {strides = array<i32>} : memref<32xf32, #tpu.memory_space<vmem>>, vector<16xf32>,
      %get3A_436 = arith.constant 4 : index
      %get3A_437 = tpu.vector_load %arg11[%get3A_436] {strides = array<i32>} : memref<32xf32, #tpu.memory_space<vmem>>, vector<16xf32>,
      %get3A_438 = vector.shape_cast %get3A_437 : vector<16xf32> to vector<16xf32>
      %swap3A_439 = arith.constant 0 : index
      %swap3A_440 = tpu.vector_load %arg12[%swap3A_439] {strides = array<i32>} : memref<32xi32, #tpu.memory_space<vmem>>, vector<16xi32>,
      %swap3A_441 = vector.shape_cast %swap3A_440 : vector<16xi32> to vector<16xi32>
      %swap3A_442 = vector.shape_cast %select_n3A_427 : vector<16xi32> to vector<16xi32>
      tpu.vector_store %arg12[%swap3A_439], %swap3A_442 {strides = array<i32>} : memref<32xi32, #tpu.memory_space<vmem>>, vector<16xi32>,
      %swap3A_443 = arith.constant 16 : index
      %swap3A_444 = tpu.vector_load %arg12[%swap3A_443] {strides = array<i32>} : memref<32xi32, #tpu.memory_space<vmem>>, vector<16xi32>,
      %swap3A_445 = vector.shape_cast %swap3A_444 : vector<16xi32> to vector<16xi32>
      %swap3A_446 = vector.shape_cast %select_n3A_427 : vector<16xi32> to vector<16xi32>
      tpu.vector_store %arg12[%swap3A_443], %swap3A_446 {strides = array<i32>} : memref<32xi32, #tpu.memory_space<vmem>>, vector<16xi32>,
      %get3A_447 = arith.constant 4 : index
      %get3A_448 = tpu.vector_load %arg12[%get3A_447] {strides = array<i32>} : memref<32xi32, #tpu.memory_space<vmem>>, vector<16xi32>,
      %get3A_449 = vector.shape_cast %get3A_448 : vector<16xi32> to vector<16xi32>
      %lt3A_450 = arith.cmpf olt, %get3A_438, %select_n3A_426 : vector<16xf32>
      %eq3A_451 = arith.cmpf oeq, %get3A_438, %select_n3A_426 : vector<16xf32>
      %lt3A_452 = arith.cmpi slt, %get3A_449, %select_n3A_427 : vector<16xi32>
      %and3A_453 = arith.andi %eq3A_451, %lt3A_452 : vector<16xi1>
      %or3A_454 = arith.ori %lt3A_450, %and3A_453 : vector<16xi1>
      %select_n3A_455 = arith.select %or3A_454, %get3A_438, %select_n3A_426 : vector<16xi1>, vector<16xf32>
      %select_n3A_456 = arith.select %or3A_454, %get3A_449, %select_n3A_427 : vector<16xi1>, vector<16xi32>
      %swap3A_457 = arith.constant 0 : index
      %swap3A_458 = tpu.vector_load %arg11[%swap3A_457] {strides = array<i32>} : memref<32xf32, #tpu.memory_space<vmem>>, vector<16xf32>,
      %swap3A_459 = vector.shape_cast %swap3A_458 : vector<16xf32> to vector<16xf32>
      %swap3A_460 = vector.shape_cast %select_n3A_455 : vector<16xf32> to vector<16xf32>
      tpu.vector_store %arg11[%swap3A_457], %swap3A_460 {strides = array<i32>} : memref<32xf32, #tpu.memory_space<vmem>>, vector<16xf32>,
      %swap3A_461 = arith.constant 16 : index
      %swap3A_462 = tpu.vector_load %arg11[%swap3A_461] {strides = array<i32>} : memref<32xf32, #tpu.memory_space<vmem>>, vector<16xf32>,
      %swap3A_463 = vector.shape_cast %swap3A_462 : vector<16xf32> to vector<16xf32>
      %swap3A_464 = vector.shape_cast %select_n3A_455 : vector<16xf32> to vector<16xf32>
      tpu.vector_store %arg11[%swap3A_461], %swap3A_464 {strides = array<i32>} : memref<32xf32, #tpu.memory_space<vmem>>, vector<16xf32>,
      %get3A_465 = arith.constant 8 : index
      %get3A_466 = tpu.vector_load %arg11[%get3A_465] {strides = array<i32>} : memref<32xf32, #tpu.memory_space<vmem>>, vector<16xf32>,
      %get3A_467 = vector.shape_cast %get3A_466 : vector<16xf32> to vector<16xf32>
      %swap3A_468 = arith.constant 0 : index
      %swap3A_469 = tpu.vector_load %arg12[%swap3A_468] {strides = array<i32>} : memref<32xi32, #tpu.memory_space<vmem>>, vector<16xi32>,
      %swap3A_470 = vector.shape_cast %swap3A_469 : vector<16xi32> to vector<16xi32>
      %swap3A_471 = vector.shape_cast %select_n3A_456 : vector<16xi32> to vector<16xi32>
      tpu.vector_store %arg12[%swap3A_468], %swap3A_471 {strides = array<i32>} : memref<32xi32, #tpu.memory_space<vmem>>, vector<16xi32>,
      %swap3A_472 = arith.constant 16 : index
      %swap3A_473 = tpu.vector_load %arg12[%swap3A_472] {strides = array<i32>} : memref<32xi32, #tpu.memory_space<vmem>>, vector<16xi32>,
      %swap3A_474 = vector.shape_cast %swap3A_473 : vector<16xi32> to vector<16xi32>
      %swap3A_475 = vector.shape_cast %select_n3A_456 : vector<16xi32> to vector<16xi32>
      tpu.vector_store %arg12[%swap3A_472], %swap3A_475 {strides = array<i32>} : memref<32xi32, #tpu.memory_space<vmem>>, vector<16xi32>,
      %get3A_476 = arith.constant 8 : index
      %get3A_477 = tpu.vector_load %arg12[%get3A_476] {strides = array<i32>} : memref<32xi32, #tpu.memory_space<vmem>>, vector<16xi32>,
      %get3A_478 = vector.shape_cast %get3A_477 : vector<16xi32> to vector<16xi32>
      %lt3A_479 = arith.cmpf olt, %get3A_467, %select_n3A_455 : vector<16xf32>
      %eq3A_480 = arith.cmpf oeq, %get3A_467, %select_n3A_455 : vector<16xf32>
      %lt3A_481 = arith.cmpi slt, %get3A_478, %select_n3A_456 : vector<16xi32>
      %and3A_482 = arith.andi %eq3A_480, %lt3A_481 : vector<16xi1>
      %or3A_483 = arith.ori %lt3A_479, %and3A_482 : vector<16xi1>
      %select_n3A_484 = arith.select %or3A_483, %get3A_467, %select_n3A_455 : vector<16xi1>, vector<16xf32>
      %select_n3A_485 = arith.select %or3A_483, %get3A_478, %select_n3A_456 : vector<16xi1>, vector<16xi32>
      %eq3A_486 = arith.constant 0 : i32
      %eq3A_487 = vector.broadcast %eq3A_486 : i32 to vector<16xi32>
      %eq3A_488 = arith.cmpi eq, %iota3A, %eq3A_487 : vector<16xi32>
      %eq3A_489 = arith.constant 1 : i32
      %eq3A_490 = vector.broadcast %eq3A_489 : i32 to vector<16xi32>
      %eq3A_491 = arith.cmpi eq, %iota3A, %eq3A_490 : vector<16xi32>
      %neg3A = arith.constant 0.000000e+00 : f32
      %neg3A_492 = vector.broadcast %neg3A : f32 to vector<16xf32>
      %neg3A_493 = arith.subf %neg3A_492, %select_n3A_242 : vector<16xf32>
      %eq3A_494 = arith.constant 2 : i32
      %eq3A_495 = vector.broadcast %eq3A_494 : i32 to vector<16xi32>
      %eq3A_496 = arith.cmpi eq, %iota3A, %eq3A_495 : vector<16xi32>
      %eq3A_497 = arith.constant 3 : i32
      %eq3A_498 = vector.broadcast %eq3A_497 : i32 to vector<16xi32>
      %eq3A_499 = arith.cmpi eq, %iota3A, %eq3A_498 : vector<16xi32>
      %neg3A_500 = arith.constant 0.000000e+00 : f32
      %neg3A_501 = vector.broadcast %neg3A_500 : f32 to vector<16xf32>
      %neg3A_502 = arith.subf %neg3A_501, %select_n3A_484 : vector<16xf32>
      %jit3A = arith.constant 0.000000e+00 : f32
      %broadcast_in_dim3A_503 = vector.broadcast %jit3A : f32 to vector<16xf32>
      %select_n3A_504 = arith.select %eq3A_499, %neg3A_502, %broadcast_in_dim3A_503 : vector<16xi1>, vector<16xf32>
      %select_n3A_505 = arith.select %eq3A_496, %select_n3A_363, %select_n3A_504 : vector<16xi1>, vector<16xf32>
      %select_n3A_506 = arith.select %eq3A_491, %neg3A_493, %select_n3A_505 : vector<16xi1>, vector<16xf32>
      %select_n3A_507 = arith.select %eq3A_488, %select_n3A_126, %select_n3A_506 : vector<16xi1>, vector<16xf32>
      %neg3A_508 = arith.constant 0.000000e+00 : f32
      %neg3A_509 = vector.broadcast %neg3A_508 : f32 to vector<16xf32>
      %neg3A_510 = arith.subf %neg3A_509, %select_n3A_507 : vector<16xf32>
      %exp3A = math.exp %neg3A_510 : vector<16xf32>
      %add3A = arith.constant 1.000000e+00 : f32
      %add3A_511 = vector.broadcast %add3A : f32 to vector<16xf32>
      %add3A_512 = arith.addf %add3A_511, %exp3A : vector<16xf32>
      %div3A = arith.constant 1.000000e+00 : f32
      %div3A_513 = vector.broadcast %div3A : f32 to vector<16xf32>
      %div3A_514 = arith.divf %div3A_513, %add3A_512 : vector<16xf32>
      %lt3A_515 = arith.constant 4 : i32
      %lt3A_516 = vector.broadcast %lt3A_515 : i32 to vector<16xi32>
      %lt3A_517 = arith.cmpi slt, %iota3A, %lt3A_516 : vector<16xi32>
      %jit3A_518 = arith.constant 0.000000e+00 : f32
      %broadcast_in_dim3A_519 = vector.broadcast %jit3A_518 : f32 to vector<16xf32>
      %select_n3A_520 = arith.select %lt3A_517, %div3A_514, %broadcast_in_dim3A_519 : vector<16xi1>, vector<16xf32>
      %eq3A_521 = arith.constant 0 : i32
      %eq3A_522 = vector.broadcast %eq3A_521 : i32 to vector<16xi32>
      %eq3A_523 = arith.cmpi eq, %iota3A, %eq3A_522 : vector<16xi32>
      %eq3A_524 = arith.constant 1 : i32
      %eq3A_525 = vector.broadcast %eq3A_524 : i32 to vector<16xi32>
      %eq3A_526 = arith.cmpi eq, %iota3A, %eq3A_525 : vector<16xi32>
      %eq3A_527 = arith.constant 2 : i32
      %eq3A_528 = vector.broadcast %eq3A_527 : i32 to vector<16xi32>
      %eq3A_529 = arith.cmpi eq, %iota3A, %eq3A_528 : vector<16xi32>
      %eq3A_530 = arith.constant 3 : i32
      %eq3A_531 = vector.broadcast %eq3A_530 : i32 to vector<16xi32>
      %eq3A_532 = arith.cmpi eq, %iota3A, %eq3A_531 : vector<16xi32>
      %jit3A_533 = arith.constant 0 : i32
      %broadcast_in_dim3A_534 = vector.broadcast %jit3A_533 : i32 to vector<16xi32>
      %select_n3A_535 = arith.select %eq3A_532, %select_n3A_485, %broadcast_in_dim3A_534 : vector<16xi1>, vector<16xi32>
      %select_n3A_536 = arith.select %eq3A_529, %select_n3A_243, %select_n3A_535 : vector<16xi1>, vector<16xi32>
      %select_n3A_537 = arith.select %eq3A_526, %select_n3A_364, %select_n3A_536 : vector<16xi1>, vector<16xi32>
      %select_n3A_538 = arith.select %eq3A_523, %select_n3A_127, %select_n3A_537 : vector<16xi1>, vector<16xi32>
      %swap3A_539 = arith.constant 0 : index
      %swap3A_540 = tpu.vector_load %arg12[%swap3A_539] {strides = array<i32>} : memref<32xi32, #tpu.memory_space<vmem>>, vector<16xi32>,
      %swap3A_541 = vector.shape_cast %swap3A_540 : vector<16xi32> to vector<16xi32>
      %swap3A_542 = vector.shape_cast %select_n3A_538 : vector<16xi32> to vector<16xi32>
      tpu.vector_store %arg12[%swap3A_539], %swap3A_542 {strides = array<i32>} : memref<32xi32, #tpu.memory_space<vmem>>, vector<16xi32>,
      %swap3A_543 = arith.constant 16 : index
      %swap3A_544 = tpu.vector_load %arg12[%swap3A_543] {strides = array<i32>} : memref<32xi32, #tpu.memory_space<vmem>>, vector<16xi32>,
      %swap3A_545 = vector.shape_cast %swap3A_544 : vector<16xi32> to vector<16xi32>
      %swap3A_546 = vector.shape_cast %select_n3A_538 : vector<16xi32> to vector<16xi32>
      tpu.vector_store %arg12[%swap3A_543], %swap3A_546 {strides = array<i32>} : memref<32xi32, #tpu.memory_space<vmem>>, vector<16xi32>,
      %get3A_547 = arith.constant 1 : index
      %get3A_548 = tpu.vector_load %arg12[%get3A_547] {strides = array<i32>} : memref<32xi32, #tpu.memory_space<vmem>>, vector<16xi32>,
      %get3A_549 = vector.shape_cast %get3A_548 : vector<16xi32> to vector<16xi32>
      %swap3A_550 = arith.constant 0 : index
      %swap3A_551 = tpu.vector_load %arg11[%swap3A_550] {strides = array<i32>} : memref<32xf32, #tpu.memory_space<vmem>>, vector<16xf32>,
      %swap3A_552 = vector.shape_cast %swap3A_551 : vector<16xf32> to vector<16xf32>
      %swap3A_553 = vector.shape_cast %select_n3A_520 : vector<16xf32> to vector<16xf32>
      tpu.vector_store %arg11[%swap3A_550], %swap3A_553 {strides = array<i32>} : memref<32xf32, #tpu.memory_space<vmem>>, vector<16xf32>,
      %swap3A_554 = arith.constant 16 : index
      %swap3A_555 = tpu.vector_load %arg11[%swap3A_554] {strides = array<i32>} : memref<32xf32, #tpu.memory_space<vmem>>, vector<16xf32>,
      %swap3A_556 = vector.shape_cast %swap3A_555 : vector<16xf32> to vector<16xf32>
      %swap3A_557 = vector.shape_cast %select_n3A_520 : vector<16xf32> to vector<16xf32>
      tpu.vector_store %arg11[%swap3A_554], %swap3A_557 {strides = array<i32>} : memref<32xf32, #tpu.memory_space<vmem>>, vector<16xf32>,
      %get3A_558 = arith.constant 1 : index
      %get3A_559 = tpu.vector_load %arg11[%get3A_558] {strides = array<i32>} : memref<32xf32, #tpu.memory_space<vmem>>, vector<16xf32>,
      %get3A_560 = vector.shape_cast %get3A_559 : vector<16xf32> to vector<16xf32>
      %eq3A_561 = arith.cmpi eq, %select_n3A_538, %get3A_549 : vector<16xi32>
      %jit3A_562 = arith.constant 0.000000e+00 : f32
      %broadcast_in_dim3A_563 = vector.broadcast %jit3A_562 : f32 to vector<16xf32>
      %select_n3A_564 = arith.select %eq3A_561, %get3A_560, %broadcast_in_dim3A_563 : vector<16xi1>, vector<16xf32>
      %add3A_565 = arith.addf %select_n3A_520, %select_n3A_564 : vector<16xf32>
      %swap3A_566 = arith.constant 0 : index
      %swap3A_567 = tpu.vector_load %arg12[%swap3A_566] {strides = array<i32>} : memref<32xi32, #tpu.memory_space<vmem>>, vector<16xi32>,
      %swap3A_568 = vector.shape_cast %swap3A_567 : vector<16xi32> to vector<16xi32>
      %swap3A_569 = vector.shape_cast %select_n3A_538 : vector<16xi32> to vector<16xi32>
      tpu.vector_store %arg12[%swap3A_566], %swap3A_569 {strides = array<i32>} : memref<32xi32, #tpu.memory_space<vmem>>, vector<16xi32>,
      %swap3A_570 = arith.constant 16 : index
      %swap3A_571 = tpu.vector_load %arg12[%swap3A_570] {strides = array<i32>} : memref<32xi32, #tpu.memory_space<vmem>>, vector<16xi32>,
      %swap3A_572 = vector.shape_cast %swap3A_571 : vector<16xi32> to vector<16xi32>
      %swap3A_573 = vector.shape_cast %select_n3A_538 : vector<16xi32> to vector<16xi32>
      tpu.vector_store %arg12[%swap3A_570], %swap3A_573 {strides = array<i32>} : memref<32xi32, #tpu.memory_space<vmem>>, vector<16xi32>,
      %get3A_574 = arith.constant 2 : index
      %get3A_575 = tpu.vector_load %arg12[%get3A_574] {strides = array<i32>} : memref<32xi32, #tpu.memory_space<vmem>>, vector<16xi32>,
      %get3A_576 = vector.shape_cast %get3A_575 : vector<16xi32> to vector<16xi32>
      %swap3A_577 = arith.constant 0 : index
      %swap3A_578 = tpu.vector_load %arg11[%swap3A_577] {strides = array<i32>} : memref<32xf32, #tpu.memory_space<vmem>>, vector<16xf32>,
      %swap3A_579 = vector.shape_cast %swap3A_578 : vector<16xf32> to vector<16xf32>
      %swap3A_580 = vector.shape_cast %select_n3A_520 : vector<16xf32> to vector<16xf32>
      tpu.vector_store %arg11[%swap3A_577], %swap3A_580 {strides = array<i32>} : memref<32xf32, #tpu.memory_space<vmem>>, vector<16xf32>,
      %swap3A_581 = arith.constant 16 : index
      %swap3A_582 = tpu.vector_load %arg11[%swap3A_581] {strides = array<i32>} : memref<32xf32, #tpu.memory_space<vmem>>, vector<16xf32>,
      %swap3A_583 = vector.shape_cast %swap3A_582 : vector<16xf32> to vector<16xf32>
      %swap3A_584 = vector.shape_cast %select_n3A_520 : vector<16xf32> to vector<16xf32>
      tpu.vector_store %arg11[%swap3A_581], %swap3A_584 {strides = array<i32>} : memref<32xf32, #tpu.memory_space<vmem>>, vector<16xf32>,
      %get3A_585 = arith.constant 2 : index
      %get3A_586 = tpu.vector_load %arg11[%get3A_585] {strides = array<i32>} : memref<32xf32, #tpu.memory_space<vmem>>, vector<16xf32>,
      %get3A_587 = vector.shape_cast %get3A_586 : vector<16xf32> to vector<16xf32>
      %eq3A_588 = arith.cmpi eq, %select_n3A_538, %get3A_576 : vector<16xi32>
      %jit3A_589 = arith.constant 0.000000e+00 : f32
      %broadcast_in_dim3A_590 = vector.broadcast %jit3A_589 : f32 to vector<16xf32>
      %select_n3A_591 = arith.select %eq3A_588, %get3A_587, %broadcast_in_dim3A_590 : vector<16xi1>, vector<16xf32>
      %add3A_592 = arith.addf %add3A_565, %select_n3A_591 : vector<16xf32>
      %swap3A_593 = arith.constant 0 : index
      %swap3A_594 = tpu.vector_load %arg12[%swap3A_593] {strides = array<i32>} : memref<32xi32, #tpu.memory_space<vmem>>, vector<16xi32>,
      %swap3A_595 = vector.shape_cast %swap3A_594 : vector<16xi32> to vector<16xi32>
      %swap3A_596 = vector.shape_cast %select_n3A_538 : vector<16xi32> to vector<16xi32>
      tpu.vector_store %arg12[%swap3A_593], %swap3A_596 {strides = array<i32>} : memref<32xi32, #tpu.memory_space<vmem>>, vector<16xi32>,
      %swap3A_597 = arith.constant 16 : index
      %swap3A_598 = tpu.vector_load %arg12[%swap3A_597] {strides = array<i32>} : memref<32xi32, #tpu.memory_space<vmem>>, vector<16xi32>,
      %swap3A_599 = vector.shape_cast %swap3A_598 : vector<16xi32> to vector<16xi32>
      %swap3A_600 = vector.shape_cast %select_n3A_538 : vector<16xi32> to vector<16xi32>
      tpu.vector_store %arg12[%swap3A_597], %swap3A_600 {strides = array<i32>} : memref<32xi32, #tpu.memory_space<vmem>>, vector<16xi32>,
      %get3A_601 = arith.constant 3 : index
      %get3A_602 = tpu.vector_load %arg12[%get3A_601] {strides = array<i32>} : memref<32xi32, #tpu.memory_space<vmem>>, vector<16xi32>,
      %get3A_603 = vector.shape_cast %get3A_602 : vector<16xi32> to vector<16xi32>
      %swap3A_604 = arith.constant 0 : index
      %swap3A_605 = tpu.vector_load %arg11[%swap3A_604] {strides = array<i32>} : memref<32xf32, #tpu.memory_space<vmem>>, vector<16xf32>,
      %swap3A_606 = vector.shape_cast %swap3A_605 : vector<16xf32> to vector<16xf32>
      %swap3A_607 = vector.shape_cast %select_n3A_520 : vector<16xf32> to vector<16xf32>
      tpu.vector_store %arg11[%swap3A_604], %swap3A_607 {strides = array<i32>} : memref<32xf32, #tpu.memory_space<vmem>>, vector<16xf32>,
      %swap3A_608 = arith.constant 16 : index
      %swap3A_609 = tpu.vector_load %arg11[%swap3A_608] {strides = array<i32>} : memref<32xf32, #tpu.memory_space<vmem>>, vector<16xf32>,
      %swap3A_610 = vector.shape_cast %swap3A_609 : vector<16xf32> to vector<16xf32>
      %swap3A_611 = vector.shape_cast %select_n3A_520 : vector<16xf32> to vector<16xf32>
      tpu.vector_store %arg11[%swap3A_608], %swap3A_611 {strides = array<i32>} : memref<32xf32, #tpu.memory_space<vmem>>, vector<16xf32>,
      %get3A_612 = arith.constant 3 : index
      %get3A_613 = tpu.vector_load %arg11[%get3A_612] {strides = array<i32>} : memref<32xf32, #tpu.memory_space<vmem>>, vector<16xf32>,
      %get3A_614 = vector.shape_cast %get3A_613 : vector<16xf32> to vector<16xf32>
      %eq3A_615 = arith.cmpi eq, %select_n3A_538, %get3A_603 : vector<16xi32>
      %jit3A_616 = arith.constant 0.000000e+00 : f32
      %broadcast_in_dim3A_617 = vector.broadcast %jit3A_616 : f32 to vector<16xf32>
      %select_n3A_618 = arith.select %eq3A_615, %get3A_614, %broadcast_in_dim3A_617 : vector<16xi1>, vector<16xf32>
      %add3A_619 = arith.addf %add3A_592, %select_n3A_618 : vector<16xf32>
      %swap3A_620 = arith.constant 0 : index
      %swap3A_621 = tpu.vector_load %arg12[%swap3A_620] {strides = array<i32>} : memref<32xi32, #tpu.memory_space<vmem>>, vector<16xi32>,
      %swap3A_622 = vector.shape_cast %swap3A_621 : vector<16xi32> to vector<16xi32>
      %swap3A_623 = vector.shape_cast %select_n3A_538 : vector<16xi32> to vector<16xi32>
      tpu.vector_store %arg12[%swap3A_620], %swap3A_623 {strides = array<i32>} : memref<32xi32, #tpu.memory_space<vmem>>, vector<16xi32>,
      %swap3A_624 = arith.constant 16 : index
      %swap3A_625 = tpu.vector_load %arg12[%swap3A_624] {strides = array<i32>} : memref<32xi32, #tpu.memory_space<vmem>>, vector<16xi32>,
      %swap3A_626 = vector.shape_cast %swap3A_625 : vector<16xi32> to vector<16xi32>
      %swap3A_627 = vector.shape_cast %select_n3A_538 : vector<16xi32> to vector<16xi32>
      tpu.vector_store %arg12[%swap3A_624], %swap3A_627 {strides = array<i32>} : memref<32xi32, #tpu.memory_space<vmem>>, vector<16xi32>,
      %get3A_628 = arith.constant 13 : index
      %get3A_629 = tpu.vector_load %arg12[%get3A_628] {strides = array<i32>} : memref<32xi32, #tpu.memory_space<vmem>>, vector<16xi32>,
      %get3A_630 = vector.shape_cast %get3A_629 : vector<16xi32> to vector<16xi32>
      %swap3A_631 = arith.constant 0 : index
      %swap3A_632 = tpu.vector_load %arg11[%swap3A_631] {strides = array<i32>} : memref<32xf32, #tpu.memory_space<vmem>>, vector<16xf32>,
      %swap3A_633 = vector.shape_cast %swap3A_632 : vector<16xf32> to vector<16xf32>
      %swap3A_634 = vector.shape_cast %select_n3A_520 : vector<16xf32> to vector<16xf32>
      tpu.vector_store %arg11[%swap3A_631], %swap3A_634 {strides = array<i32>} : memref<32xf32, #tpu.memory_space<vmem>>, vector<16xf32>,
      %swap3A_635 = arith.constant 16 : index
      %swap3A_636 = tpu.vector_load %arg11[%swap3A_635] {strides = array<i32>} : memref<32xf32, #tpu.memory_space<vmem>>, vector<16xf32>,
      %swap3A_637 = vector.shape_cast %swap3A_636 : vector<16xf32> to vector<16xf32>
      %swap3A_638 = vector.shape_cast %select_n3A_520 : vector<16xf32> to vector<16xf32>
      tpu.vector_store %arg11[%swap3A_635], %swap3A_638 {strides = array<i32>} : memref<32xf32, #tpu.memory_space<vmem>>, vector<16xf32>,
      %get3A_639 = arith.constant 13 : index
      %get3A_640 = tpu.vector_load %arg11[%get3A_639] {strides = array<i32>} : memref<32xf32, #tpu.memory_space<vmem>>, vector<16xf32>,
      %get3A_641 = vector.shape_cast %get3A_640 : vector<16xf32> to vector<16xf32>
      %eq3A_642 = arith.cmpi eq, %select_n3A_538, %get3A_630 : vector<16xi32>
      %jit3A_643 = arith.constant 0.000000e+00 : f32
      %broadcast_in_dim3A_644 = vector.broadcast %jit3A_643 : f32 to vector<16xf32>
      %select_n3A_645 = arith.select %eq3A_642, %get3A_641, %broadcast_in_dim3A_644 : vector<16xi1>, vector<16xf32>
      %add3A_646 = arith.addf %add3A_619, %select_n3A_645 : vector<16xf32>
      %swap3A_647 = arith.constant 0 : index
      %swap3A_648 = tpu.vector_load %arg12[%swap3A_647] {strides = array<i32>} : memref<32xi32, #tpu.memory_space<vmem>>, vector<16xi32>,
      %swap3A_649 = vector.shape_cast %swap3A_648 : vector<16xi32> to vector<16xi32>
      %swap3A_650 = vector.shape_cast %select_n3A_538 : vector<16xi32> to vector<16xi32>
      tpu.vector_store %arg12[%swap3A_647], %swap3A_650 {strides = array<i32>} : memref<32xi32, #tpu.memory_space<vmem>>, vector<16xi32>,
      %swap3A_651 = arith.constant 16 : index
      %swap3A_652 = tpu.vector_load %arg12[%swap3A_651] {strides = array<i32>} : memref<32xi32, #tpu.memory_space<vmem>>, vector<16xi32>,
      %swap3A_653 = vector.shape_cast %swap3A_652 : vector<16xi32> to vector<16xi32>
      %swap3A_654 = vector.shape_cast %select_n3A_538 : vector<16xi32> to vector<16xi32>
      tpu.vector_store %arg12[%swap3A_651], %swap3A_654 {strides = array<i32>} : memref<32xi32, #tpu.memory_space<vmem>>, vector<16xi32>,
      %get3A_655 = arith.constant 14 : index
      %get3A_656 = tpu.vector_load %arg12[%get3A_655] {strides = array<i32>} : memref<32xi32, #tpu.memory_space<vmem>>, vector<16xi32>,
      %get3A_657 = vector.shape_cast %get3A_656 : vector<16xi32> to vector<16xi32>
      %swap3A_658 = arith.constant 0 : index
      %swap3A_659 = tpu.vector_load %arg11[%swap3A_658] {strides = array<i32>} : memref<32xf32, #tpu.memory_space<vmem>>, vector<16xf32>,
      %swap3A_660 = vector.shape_cast %swap3A_659 : vector<16xf32> to vector<16xf32>
      %swap3A_661 = vector.shape_cast %select_n3A_520 : vector<16xf32> to vector<16xf32>
      tpu.vector_store %arg11[%swap3A_658], %swap3A_661 {strides = array<i32>} : memref<32xf32, #tpu.memory_space<vmem>>, vector<16xf32>,
      %swap3A_662 = arith.constant 16 : index
      %swap3A_663 = tpu.vector_load %arg11[%swap3A_662] {strides = array<i32>} : memref<32xf32, #tpu.memory_space<vmem>>, vector<16xf32>,
      %swap3A_664 = vector.shape_cast %swap3A_663 : vector<16xf32> to vector<16xf32>
      %swap3A_665 = vector.shape_cast %select_n3A_520 : vector<16xf32> to vector<16xf32>
      tpu.vector_store %arg11[%swap3A_662], %swap3A_665 {strides = array<i32>} : memref<32xf32, #tpu.memory_space<vmem>>, vector<16xf32>,
      %get3A_666 = arith.constant 14 : index
      %get3A_667 = tpu.vector_load %arg11[%get3A_666] {strides = array<i32>} : memref<32xf32, #tpu.memory_space<vmem>>, vector<16xf32>,
      %get3A_668 = vector.shape_cast %get3A_667 : vector<16xf32> to vector<16xf32>
      %eq3A_669 = arith.cmpi eq, %select_n3A_538, %get3A_657 : vector<16xi32>
      %jit3A_670 = arith.constant 0.000000e+00 : f32
      %broadcast_in_dim3A_671 = vector.broadcast %jit3A_670 : f32 to vector<16xf32>
      %select_n3A_672 = arith.select %eq3A_669, %get3A_668, %broadcast_in_dim3A_671 : vector<16xi1>, vector<16xf32>
      %add3A_673 = arith.addf %add3A_646, %select_n3A_672 : vector<16xf32>
      %swap3A_674 = arith.constant 0 : index
      %swap3A_675 = tpu.vector_load %arg12[%swap3A_674] {strides = array<i32>} : memref<32xi32, #tpu.memory_space<vmem>>, vector<16xi32>,
      %swap3A_676 = vector.shape_cast %swap3A_675 : vector<16xi32> to vector<16xi32>
      %swap3A_677 = vector.shape_cast %select_n3A_538 : vector<16xi32> to vector<16xi32>
      tpu.vector_store %arg12[%swap3A_674], %swap3A_677 {strides = array<i32>} : memref<32xi32, #tpu.memory_space<vmem>>, vector<16xi32>,
      %swap3A_678 = arith.constant 16 : index
      %swap3A_679 = tpu.vector_load %arg12[%swap3A_678] {strides = array<i32>} : memref<32xi32, #tpu.memory_space<vmem>>, vector<16xi32>,
      %swap3A_680 = vector.shape_cast %swap3A_679 : vector<16xi32> to vector<16xi32>
      %swap3A_681 = vector.shape_cast %select_n3A_538 : vector<16xi32> to vector<16xi32>
      tpu.vector_store %arg12[%swap3A_678], %swap3A_681 {strides = array<i32>} : memref<32xi32, #tpu.memory_space<vmem>>, vector<16xi32>,
      %get3A_682 = arith.constant 15 : index
      %get3A_683 = tpu.vector_load %arg12[%get3A_682] {strides = array<i32>} : memref<32xi32, #tpu.memory_space<vmem>>, vector<16xi32>,
      %get3A_684 = vector.shape_cast %get3A_683 : vector<16xi32> to vector<16xi32>
      %swap3A_685 = arith.constant 0 : index
      %swap3A_686 = tpu.vector_load %arg11[%swap3A_685] {strides = array<i32>} : memref<32xf32, #tpu.memory_space<vmem>>, vector<16xf32>,
      %swap3A_687 = vector.shape_cast %swap3A_686 : vector<16xf32> to vector<16xf32>
      %swap3A_688 = vector.shape_cast %select_n3A_520 : vector<16xf32> to vector<16xf32>
      tpu.vector_store %arg11[%swap3A_685], %swap3A_688 {strides = array<i32>} : memref<32xf32, #tpu.memory_space<vmem>>, vector<16xf32>,
      %swap3A_689 = arith.constant 16 : index
      %swap3A_690 = tpu.vector_load %arg11[%swap3A_689] {strides = array<i32>} : memref<32xf32, #tpu.memory_space<vmem>>, vector<16xf32>,
      %swap3A_691 = vector.shape_cast %swap3A_690 : vector<16xf32> to vector<16xf32>
      %swap3A_692 = vector.shape_cast %select_n3A_520 : vector<16xf32> to vector<16xf32>
      tpu.vector_store %arg11[%swap3A_689], %swap3A_692 {strides = array<i32>} : memref<32xf32, #tpu.memory_space<vmem>>, vector<16xf32>,
      %get3A_693 = arith.constant 15 : index
      %get3A_694 = tpu.vector_load %arg11[%get3A_693] {strides = array<i32>} : memref<32xf32, #tpu.memory_space<vmem>>, vector<16xf32>,
      %get3A_695 = vector.shape_cast %get3A_694 : vector<16xf32> to vector<16xf32>
      %eq3A_696 = arith.cmpi eq, %select_n3A_538, %get3A_684 : vector<16xi32>
      %jit3A_697 = arith.constant 0.000000e+00 : f32
      %broadcast_in_dim3A_698 = vector.broadcast %jit3A_697 : f32 to vector<16xf32>
      %select_n3A_699 = arith.select %eq3A_696, %get3A_695, %broadcast_in_dim3A_698 : vector<16xi1>, vector<16xf32>
      %add3A_700 = arith.addf %add3A_673, %select_n3A_699 : vector<16xf32>
      %lt3A_701 = arith.constant 4 : i32
      %lt3A_702 = vector.broadcast %lt3A_701 : i32 to vector<16xi32>
      %lt3A_703 = arith.cmpi slt, %iota3A, %lt3A_702 : vector<16xi32>
      %jit3A_704 = arith.constant 0.000000e+00 : f32
      %broadcast_in_dim3A_705 = vector.broadcast %jit3A_704 : f32 to vector<16xf32>
      %select_n3A_706 = arith.select %lt3A_703, %add3A_700, %broadcast_in_dim3A_705 : vector<16xi1>, vector<16xf32>
      %swap3A_707 = arith.constant 0 : index
      %swap3A_708 = tpu.vector_load %arg8[%swap3A_707] {strides = array<i32>} : memref<16xi32, #tpu.memory_space<vmem>>, vector<16xi32>,
      %swap3A_709 = vector.shape_cast %swap3A_708 : vector<16xi32> to vector<16xi32>
      %swap3A_710 = vector.shape_cast %select_n3A_538 : vector<16xi32> to vector<16xi32>
      tpu.vector_store %arg8[%swap3A_707], %swap3A_710 {strides = array<i32>} : memref<16xi32, #tpu.memory_space<vmem>>, vector<16xi32>,
      %swap3A_711 = arith.constant 0 : index
      %swap3A_712 = tpu.vector_load %arg9[%swap3A_711] {strides = array<i32>} : memref<16xf32, #tpu.memory_space<vmem>>, vector<16xf32>,
      %swap3A_713 = vector.shape_cast %swap3A_712 : vector<16xf32> to vector<16xf32>
      %swap3A_714 = vector.shape_cast %select_n3A_706 : vector<16xf32> to vector<16xf32>
      tpu.vector_store %arg9[%swap3A_711], %swap3A_714 {strides = array<i32>} : memref<16xf32, #tpu.memory_space<vmem>>, vector<16xf32>,
      "tpu.region"() ({
        %run_scoped3A = tpu.sem_alloc : memref<!tpu.dma_semaphore, #tpu.memory_space<semaphore_mem>>
        tpu.enqueue_dma source(%arg8 : memref<16xi32, #tpu.memory_space<vmem>>) target(%arg4 : memref<16xi32, #tpu.memory_space<hbm>>) target_semaphore(%run_scoped3A : memref<!tpu.dma_semaphore, #tpu.memory_space<semaphore_mem>>)
        tpu.wait_dma2 semaphore(%run_scoped3A : memref<!tpu.dma_semaphore, #tpu.memory_space<semaphore_mem>>) src(%arg8 : memref<16xi32, #tpu.memory_space<vmem>>) dst(%arg4 : memref<16xi32, #tpu.memory_space<hbm>>)
        tpu.yield
      }) : () -> ()
      "tpu.region"() ({
        %run_scoped3A = tpu.sem_alloc : memref<!tpu.dma_semaphore, #tpu.memory_space<semaphore_mem>>
        tpu.enqueue_dma source(%arg9 : memref<16xf32, #tpu.memory_space<vmem>>) target(%arg5 : memref<16xf32, #tpu.memory_space<hbm>>) target_semaphore(%run_scoped3A : memref<!tpu.dma_semaphore, #tpu.memory_space<semaphore_mem>>)
        tpu.wait_dma2 semaphore(%run_scoped3A : memref<!tpu.dma_semaphore, #tpu.memory_space<semaphore_mem>>) src(%arg9 : memref<16xf32, #tpu.memory_space<vmem>>) dst(%arg5 : memref<16xf32, #tpu.memory_space<hbm>>)
        tpu.yield
      }) : () -> ()
      %dma_start3A = arith.constant 0 : i32
      %dma_start3A_715 = arith.constant 0 : i32
      %dma_start3A_716 = tpu.memref_slice %arg3[%dma_start3A, %dma_start3A_715] : memref<4096x2048xf32, #tpu.memory_space<hbm>> -> memref<4096x2048xf32, #tpu.memory_space<hbm>>
      tpu.enqueue_indirect_dma source(%dma_start3A_716 : memref<4096x2048xf32, #tpu.memory_space<hbm>>) target(%arg10 : memref<16x2048xf32, #tpu.memory_space<vmem>>) offsets(%arg8 : memref<16xi32, #tpu.memory_space<vmem>>) semaphore(%arg13 : memref<!tpu.dma_semaphore, #tpu.memory_space<semaphore_mem>>)
      %dma_wait3A = arith.constant 0 : i32
      %dma_wait3A_717 = arith.constant 0 : i32
      %dma_wait3A_718 = tpu.memref_slice %arg3[%dma_wait3A, %dma_wait3A_717] : memref<4096x2048xf32, #tpu.memory_space<hbm>> -> memref<4096x2048xf32, #tpu.memory_space<hbm>>
      tpu.wait_indirect_dma semaphore(%arg13 : memref<!tpu.dma_semaphore, #tpu.memory_space<semaphore_mem>>) src(%dma_wait3A_718 : memref<4096x2048xf32, #tpu.memory_space<hbm>>) dst(%arg10 : memref<16x2048xf32, #tpu.memory_space<vmem>>)
      "tpu.region"() ({
        %run_scoped3A = tpu.sem_alloc : memref<!tpu.dma_semaphore, #tpu.memory_space<semaphore_mem>>
        tpu.enqueue_dma source(%arg10 : memref<16x2048xf32, #tpu.memory_space<vmem>>) target(%arg6 : memref<16x2048xf32, #tpu.memory_space<hbm>>) target_semaphore(%run_scoped3A : memref<!tpu.dma_semaphore, #tpu.memory_space<semaphore_mem>>)
        tpu.wait_dma2 semaphore(%run_scoped3A : memref<!tpu.dma_semaphore, #tpu.memory_space<semaphore_mem>>) src(%arg10 : memref<16x2048xf32, #tpu.memory_space<vmem>>) dst(%arg6 : memref<16x2048xf32, #tpu.memory_space<hbm>>)
        tpu.yield
      }) : () -> ()
    } else {
    }
    return
  }
}

module attributes {stable_mosaic.version = 14 : i64} {
  func.func @_scatter_body(%arg0: i32, %arg1: memref<16xi32, #tpu.memory_space<smem>>, %arg2: memref<16x2048xf32, #tpu.memory_space<vmem>>, %arg3: memref<4096x2048xf32, #tpu.memory_space<any>>, %arg4: memref<4096x2048xf32, #tpu.memory_space<any>>, %arg5: memref<!tpu.dma_semaphore, #tpu.memory_space<semaphore_mem>>) attributes {dimension_semantics = [#tpu.dimension_semantics<arbitrary>], iteration_bounds = array<i64: 1>, scalar_prefetch = 1 : i64, scratch_operands = 1 : i64, tpu.core_type = #tpu.core_type<tc>, window_params = [{pipeline_mode = #tpu.pipeline_mode<synchronous>, transform_indices = @transform_0, window_bounds = array<i64: 16, 2048>}, {}, {}]} {
    %get3A = arith.constant 0 : index
    %get3A_0 = memref.load %arg1[%get3A] : memref<16xi32, #tpu.memory_space<smem>>
    %get3A_1 = arith.constant 1 : index
    %get3A_2 = memref.load %arg1[%get3A_1] : memref<16xi32, #tpu.memory_space<smem>>
    %get3A_3 = arith.constant 2 : index
    %get3A_4 = memref.load %arg1[%get3A_3] : memref<16xi32, #tpu.memory_space<smem>>
    %get3A_5 = arith.constant 3 : index
    %get3A_6 = memref.load %arg1[%get3A_5] : memref<16xi32, #tpu.memory_space<smem>>
    %dma_start3A = arith.constant 0 : i32
    %dma_start3A_7 = tpu.memref_slice %arg4[%get3A_0, %dma_start3A] : memref<4096x2048xf32, #tpu.memory_space<any>> -> memref<1x2048xf32, #tpu.memory_space<any>>
    %dma_start3A_8 = arith.constant 0 : i32
    %dma_start3A_9 = arith.constant 0 : i32
    %dma_start3A_10 = tpu.memref_slice %arg2[%dma_start3A_8, %dma_start3A_9] : memref<16x2048xf32, #tpu.memory_space<vmem>> -> memref<1x2048xf32, #tpu.memory_space<vmem>>
    tpu.enqueue_dma source(%dma_start3A_10 : memref<1x2048xf32, #tpu.memory_space<vmem>>) target(%dma_start3A_7 : memref<1x2048xf32, #tpu.memory_space<any>>) target_semaphore(%arg5 : memref<!tpu.dma_semaphore, #tpu.memory_space<semaphore_mem>>)
    %dma_start3A_11 = arith.constant 0 : i32
    %dma_start3A_12 = tpu.memref_slice %arg4[%get3A_2, %dma_start3A_11] : memref<4096x2048xf32, #tpu.memory_space<any>> -> memref<1x2048xf32, #tpu.memory_space<any>>
    %dma_start3A_13 = arith.constant 1 : i32
    %dma_start3A_14 = arith.constant 0 : i32
    %dma_start3A_15 = tpu.memref_slice %arg2[%dma_start3A_13, %dma_start3A_14] : memref<16x2048xf32, #tpu.memory_space<vmem>> -> memref<1x2048xf32, #tpu.memory_space<vmem>>
    tpu.enqueue_dma source(%dma_start3A_15 : memref<1x2048xf32, #tpu.memory_space<vmem>>) target(%dma_start3A_12 : memref<1x2048xf32, #tpu.memory_space<any>>) target_semaphore(%arg5 : memref<!tpu.dma_semaphore, #tpu.memory_space<semaphore_mem>>)
    %dma_start3A_16 = arith.constant 0 : i32
    %dma_start3A_17 = tpu.memref_slice %arg4[%get3A_4, %dma_start3A_16] : memref<4096x2048xf32, #tpu.memory_space<any>> -> memref<1x2048xf32, #tpu.memory_space<any>>
    %dma_start3A_18 = arith.constant 2 : i32
    %dma_start3A_19 = arith.constant 0 : i32
    %dma_start3A_20 = tpu.memref_slice %arg2[%dma_start3A_18, %dma_start3A_19] : memref<16x2048xf32, #tpu.memory_space<vmem>> -> memref<1x2048xf32, #tpu.memory_space<vmem>>
    tpu.enqueue_dma source(%dma_start3A_20 : memref<1x2048xf32, #tpu.memory_space<vmem>>) target(%dma_start3A_17 : memref<1x2048xf32, #tpu.memory_space<any>>) target_semaphore(%arg5 : memref<!tpu.dma_semaphore, #tpu.memory_space<semaphore_mem>>)
    %dma_start3A_21 = arith.constant 0 : i32
    %dma_start3A_22 = tpu.memref_slice %arg4[%get3A_6, %dma_start3A_21] : memref<4096x2048xf32, #tpu.memory_space<any>> -> memref<1x2048xf32, #tpu.memory_space<any>>
    %dma_start3A_23 = arith.constant 3 : i32
    %dma_start3A_24 = arith.constant 0 : i32
    %dma_start3A_25 = tpu.memref_slice %arg2[%dma_start3A_23, %dma_start3A_24] : memref<16x2048xf32, #tpu.memory_space<vmem>> -> memref<1x2048xf32, #tpu.memory_space<vmem>>
    tpu.enqueue_dma source(%dma_start3A_25 : memref<1x2048xf32, #tpu.memory_space<vmem>>) target(%dma_start3A_22 : memref<1x2048xf32, #tpu.memory_space<any>>) target_semaphore(%arg5 : memref<!tpu.dma_semaphore, #tpu.memory_space<semaphore_mem>>)
    %dma_wait3A = arith.constant 0 : i32
    %dma_wait3A_26 = tpu.memref_slice %arg4[%get3A_0, %dma_wait3A] : memref<4096x2048xf32, #tpu.memory_space<any>> -> memref<1x2048xf32, #tpu.memory_space<any>>
    %dma_wait3A_27 = arith.constant 0 : i32
    %dma_wait3A_28 = arith.constant 0 : i32
    %dma_wait3A_29 = tpu.memref_slice %arg2[%dma_wait3A_27, %dma_wait3A_28] : memref<16x2048xf32, #tpu.memory_space<vmem>> -> memref<1x2048xf32, #tpu.memory_space<vmem>>
    tpu.wait_dma2 semaphore(%arg5 : memref<!tpu.dma_semaphore, #tpu.memory_space<semaphore_mem>>) src(%dma_wait3A_29 : memref<1x2048xf32, #tpu.memory_space<vmem>>) dst(%dma_wait3A_26 : memref<1x2048xf32, #tpu.memory_space<any>>)
    %dma_wait3A_30 = arith.constant 0 : i32
    %dma_wait3A_31 = tpu.memref_slice %arg4[%get3A_2, %dma_wait3A_30] : memref<4096x2048xf32, #tpu.memory_space<any>> -> memref<1x2048xf32, #tpu.memory_space<any>>
    %dma_wait3A_32 = arith.constant 1 : i32
    %dma_wait3A_33 = arith.constant 0 : i32
    %dma_wait3A_34 = tpu.memref_slice %arg2[%dma_wait3A_32, %dma_wait3A_33] : memref<16x2048xf32, #tpu.memory_space<vmem>> -> memref<1x2048xf32, #tpu.memory_space<vmem>>
    tpu.wait_dma2 semaphore(%arg5 : memref<!tpu.dma_semaphore, #tpu.memory_space<semaphore_mem>>) src(%dma_wait3A_34 : memref<1x2048xf32, #tpu.memory_space<vmem>>) dst(%dma_wait3A_31 : memref<1x2048xf32, #tpu.memory_space<any>>)
    %dma_wait3A_35 = arith.constant 0 : i32
    %dma_wait3A_36 = tpu.memref_slice %arg4[%get3A_4, %dma_wait3A_35] : memref<4096x2048xf32, #tpu.memory_space<any>> -> memref<1x2048xf32, #tpu.memory_space<any>>
    %dma_wait3A_37 = arith.constant 2 : i32
    %dma_wait3A_38 = arith.constant 0 : i32
    %dma_wait3A_39 = tpu.memref_slice %arg2[%dma_wait3A_37, %dma_wait3A_38] : memref<16x2048xf32, #tpu.memory_space<vmem>> -> memref<1x2048xf32, #tpu.memory_space<vmem>>
    tpu.wait_dma2 semaphore(%arg5 : memref<!tpu.dma_semaphore, #tpu.memory_space<semaphore_mem>>) src(%dma_wait3A_39 : memref<1x2048xf32, #tpu.memory_space<vmem>>) dst(%dma_wait3A_36 : memref<1x2048xf32, #tpu.memory_space<any>>)
    %dma_wait3A_40 = arith.constant 0 : i32
    %dma_wait3A_41 = tpu.memref_slice %arg4[%get3A_6, %dma_wait3A_40] : memref<4096x2048xf32, #tpu.memory_space<any>> -> memref<1x2048xf32, #tpu.memory_space<any>>
    %dma_wait3A_42 = arith.constant 3 : i32
    %dma_wait3A_43 = arith.constant 0 : i32
    %dma_wait3A_44 = tpu.memref_slice %arg2[%dma_wait3A_42, %dma_wait3A_43] : memref<16x2048xf32, #tpu.memory_space<vmem>> -> memref<1x2048xf32, #tpu.memory_space<vmem>>
    tpu.wait_dma2 semaphore(%arg5 : memref<!tpu.dma_semaphore, #tpu.memory_space<semaphore_mem>>) src(%dma_wait3A_44 : memref<1x2048xf32, #tpu.memory_space<vmem>>) dst(%dma_wait3A_41 : memref<1x2048xf32, #tpu.memory_space<any>>)
    return
  }
  func.func @transform_0(%arg0: i32, %arg1: memref<16xi32, #tpu.memory_space<smem>>) -> (i32, i32) {
    %c0_i32 = arith.constant 0 : i32
    %c0_i32_0 = arith.constant 0 : i32
    %c0_i32_1 = arith.constant 0 : i32
    return %c0_i32, %c0_i32_0 : i32, i32
  }
}

module attributes {stable_mosaic.version = 14 : i64} {
  func.func @_router_body(%arg0: i32, %arg1: memref<2x2048xf32, #tpu.memory_space<vmem>>, %arg2: memref<2xf32, #tpu.memory_space<smem>>, %arg3: memref<1024x2048xf32, #tpu.memory_space<vmem>>, %arg4: memref<1x1x1024xf32, #tpu.memory_space<vmem>>) attributes {dimension_semantics = [#tpu.dimension_semantics<arbitrary>], iteration_bounds = array<i64: 4>, scalar_prefetch = 0 : i64, scratch_operands = 0 : i64, tpu.core_type = #tpu.core_type<tc>, window_params = [{pipeline_mode = #tpu.pipeline_mode<synchronous>, transform_indices = @transform_0, window_bounds = array<i64: 2, 2048>}, {transform_indices = @transform_1, window_bounds = array<i64: 2>}, {transform_indices = @transform_2, window_bounds = array<i64: 1024, 2048>}, {transform_indices = @transform_3, window_bounds = array<i64: 1, 1, 1024>}]} {
    %get3A = arith.constant 0 : index
    %get3A_0 = arith.constant 0 : index
    %get3A_1 = vector.load %arg3[%get3A, %get3A_0] : memref<1024x2048xf32, #tpu.memory_space<vmem>>, vector<1024x2048xf32>
    %convert_element_type3A = arith.truncf %get3A_1 : vector<1024x2048xf32> to vector<1024x2048xbf16>
    %get3A_2 = arith.constant 0 : index
    %get3A_3 = arith.constant 0 : index
    %get3A_4 = vector.load %arg1[%get3A_2, %get3A_3] : memref<2x2048xf32, #tpu.memory_space<vmem>>, vector<2x2048xf32>
    %convert_element_type3A_5 = arith.truncf %get3A_4 : vector<2x2048xf32> to vector<2x2048xbf16>
    %dot_general3A = arith.constant dense<0.000000e+00> : vector<2x1024xf32>
    %dot_general3A_6 = tpu.matmul %convert_element_type3A_5, %convert_element_type3A, %dot_general3A {dimension_numbers = #tpu.dot_dimension_numbers<[1], [1], [0], [0], [0, 0, 1, 0], [], []>, transpose_lhs_hint = false} : vector<2x2048xbf16>, vector<1024x2048xbf16>, vector<2x1024xf32> -> vector<2x1024xf32>
    %slice3A = vector.extract_strided_slice %dot_general3A_6 {offsets = [0, 0], sizes = [1, 1024], strides = [1, 1]} : vector<2x1024xf32> to vector<1x1024xf32>
    %slice3A_7 = vector.extract_strided_slice %dot_general3A_6 {offsets = [1, 0], sizes = [1, 1024], strides = [1, 1]} : vector<2x1024xf32> to vector<1x1024xf32>
    %sub3A = arith.subf %slice3A, %slice3A_7 : vector<1x1024xf32>
    %get3A_8 = arith.constant 0 : index
    %get3A_9 = memref.load %arg2[%get3A_8] : memref<2xf32, #tpu.memory_space<smem>>
    %get3A_10 = arith.constant 1 : index
    %get3A_11 = memref.load %arg2[%get3A_10] : memref<2xf32, #tpu.memory_space<smem>>
    %sub3A_12 = arith.subf %get3A_9, %get3A_11 : f32
    %add3A = vector.broadcast %sub3A_12 : f32 to vector<1x1024xf32>
    %add3A_13 = arith.addf %sub3A, %add3A : vector<1x1024xf32>
    %swap3A = arith.constant 0 : index
    %swap3A_14 = arith.constant 0 : index
    %swap3A_15 = arith.constant 0 : index
    %swap3A_16 = vector.load %arg4[%swap3A, %swap3A_14, %swap3A_15] : memref<1x1x1024xf32, #tpu.memory_space<vmem>>, vector<1x1x1024xf32>
    %swap3A_17 = vector.shape_cast %swap3A_16 : vector<1x1x1024xf32> to vector<1x1024xf32>
    %swap3A_18 = vector.shape_cast %add3A_13 : vector<1x1024xf32> to vector<1x1x1024xf32>
    tpu.vector_store %arg4[%swap3A, %swap3A_14, %swap3A_15], %swap3A_18 {strides = array<i32>} : memref<1x1x1024xf32, #tpu.memory_space<vmem>>, vector<1x1x1024xf32>,
    return
  }
  func.func @transform_0(%arg0: i32) -> (i32, i32) {
    %c0_i32 = arith.constant 0 : i32
    %c0_i32_0 = arith.constant 0 : i32
    %c0_i32_1 = arith.constant 0 : i32
    return %c0_i32, %c0_i32_0 : i32, i32
  }
  func.func @transform_1(%arg0: i32) -> i32 {
    %c0_i32 = arith.constant 0 : i32
    %c0_i32_0 = arith.constant 0 : i32
    return %c0_i32 : i32
  }
  func.func @transform_2(%arg0: i32) -> (i32, i32) {
    %c0_i32 = arith.constant 0 : i32
    %c0_i32_0 = arith.constant 0 : i32
    return %arg0, %c0_i32 : i32, i32
  }
  func.func @transform_3(%arg0: i32) -> (i32, i32, i32) {
    %c0_i32 = arith.constant 0 : i32
    %c0_i32_0 = arith.constant 0 : i32
    %c0_i32_1 = arith.constant 0 : i32
    return %arg0, %c0_i32, %c0_i32_0 : i32, i32, i32
  }
}

module attributes {stable_mosaic.version = 14 : i64} {
  func.func @_zero_body(%arg0: i32, %arg1: memref<4x1x1024xf32, #tpu.memory_space<any>>, %arg2: memref<1024x2048xf32, #tpu.memory_space<vmem>>) attributes {dimension_semantics = [#tpu.dimension_semantics<arbitrary>], iteration_bounds = array<i64: 4>, scalar_prefetch = 0 : i64, scratch_operands = 0 : i64, tpu.core_type = #tpu.core_type<tc>, window_params = [{}, {transform_indices = @transform_1, window_bounds = array<i64: 1024, 2048>}]} {
    %broadcast_in_dim3A = arith.constant 0.000000e+00 : f32
    %broadcast_in_dim3A_0 = vector.broadcast %broadcast_in_dim3A : f32 to vector<1024x2048xf32>
    %swap3A = arith.constant 0 : index
    %swap3A_1 = arith.constant 0 : index
    %swap3A_2 = vector.load %arg2[%swap3A, %swap3A_1] : memref<1024x2048xf32, #tpu.memory_space<vmem>>, vector<1024x2048xf32>
    tpu.vector_store %arg2[%swap3A, %swap3A_1], %broadcast_in_dim3A_0 {strides = array<i32>} : memref<1024x2048xf32, #tpu.memory_space<vmem>>, vector<1024x2048xf32>,
    return
  }
  func.func @transform_1(%arg0: i32) -> (i32, i32) {
    %c0_i32 = arith.constant 0 : i32
    %c0_i32_0 = arith.constant 0 : i32
    return %arg0, %c0_i32 : i32, i32
  }
}

module attributes {stable_mosaic.version = 14 : i64} {
  func.func @_mm_body(%arg0: i32, %arg1: memref<16xf32, #tpu.memory_space<smem>>, %arg2: memref<16x2048xf32, #tpu.memory_space<vmem>>, %arg3: memref<512x2048xf32, #tpu.memory_space<vmem>>, %arg4: memref<1x512xf32, #tpu.memory_space<vmem>>, %arg5: memref<16x512xf32, #tpu.memory_space<vmem>>) attributes {dimension_semantics = [#tpu.dimension_semantics<arbitrary>], iteration_bounds = array<i64: 4>, scalar_prefetch = 0 : i64, scratch_operands = 0 : i64, tpu.core_type = #tpu.core_type<tc>, window_params = [{transform_indices = @transform_0, window_bounds = array<i64: 16>}, {pipeline_mode = #tpu.pipeline_mode<synchronous>, transform_indices = @transform_1, window_bounds = array<i64: 16, 2048>}, {transform_indices = @transform_2, window_bounds = array<i64: 512, 2048>}, {transform_indices = @transform_3, window_bounds = array<i64: 1, 512>}, {transform_indices = @transform_4, window_bounds = array<i64: 16, 512>}]} {
    %get3A = arith.constant 0 : index
    %get3A_0 = arith.constant 0 : index
    %get3A_1 = vector.load %arg2[%get3A, %get3A_0] : memref<16x2048xf32, #tpu.memory_space<vmem>>, vector<16x2048xf32>
    %convert_element_type3A = arith.truncf %get3A_1 : vector<16x2048xf32> to vector<16x2048xbf16>
    %get3A_2 = arith.constant 0 : index
    %get3A_3 = arith.constant 0 : index
    %get3A_4 = vector.load %arg3[%get3A_2, %get3A_3] : memref<512x2048xf32, #tpu.memory_space<vmem>>, vector<512x2048xf32>
    %convert_element_type3A_5 = arith.truncf %get3A_4 : vector<512x2048xf32> to vector<512x2048xbf16>
    %dot_general3A = arith.constant dense<0.000000e+00> : vector<16x512xf32>
    %dot_general3A_6 = tpu.matmul %convert_element_type3A, %convert_element_type3A_5, %dot_general3A {dimension_numbers = #tpu.dot_dimension_numbers<[1], [1], [0], [0], [0, 0, 1, 0], [], []>, transpose_lhs_hint = false} : vector<16x2048xbf16>, vector<512x2048xbf16>, vector<16x512xf32> -> vector<16x512xf32>
    %get3A_7 = arith.constant 0 : index
    %get3A_8 = arith.constant 0 : index
    %get3A_9 = vector.load %arg4[%get3A_7, %get3A_8] : memref<1x512xf32, #tpu.memory_space<vmem>>, vector<1x512xf32>
    %add3A = vector.broadcast %get3A_9 : vector<1x512xf32> to vector<16x512xf32>
    %add3A_10 = arith.addf %dot_general3A_6, %add3A : vector<16x512xf32>
    %iota3A = tpu.iota {dimensions = array<i32: 0>} : vector<16x1xi32>
    %eq3A = arith.constant 0 : i32
    %eq3A_11 = vector.broadcast %eq3A : i32 to vector<16x1xi32>
    %eq3A_12 = arith.cmpi eq, %iota3A, %eq3A_11 : vector<16x1xi32>
    %get3A_13 = arith.constant 0 : index
    %get3A_14 = memref.load %arg1[%get3A_13] : memref<16xf32, #tpu.memory_space<smem>>
    %eq3A_15 = arith.constant 1 : i32
    %eq3A_16 = vector.broadcast %eq3A_15 : i32 to vector<16x1xi32>
    %eq3A_17 = arith.cmpi eq, %iota3A, %eq3A_16 : vector<16x1xi32>
    %get3A_18 = arith.constant 1 : index
    %get3A_19 = memref.load %arg1[%get3A_18] : memref<16xf32, #tpu.memory_space<smem>>
    %eq3A_20 = arith.constant 2 : i32
    %eq3A_21 = vector.broadcast %eq3A_20 : i32 to vector<16x1xi32>
    %eq3A_22 = arith.cmpi eq, %iota3A, %eq3A_21 : vector<16x1xi32>
    %get3A_23 = arith.constant 2 : index
    %get3A_24 = memref.load %arg1[%get3A_23] : memref<16xf32, #tpu.memory_space<smem>>
    %eq3A_25 = arith.constant 3 : i32
    %eq3A_26 = vector.broadcast %eq3A_25 : i32 to vector<16x1xi32>
    %eq3A_27 = arith.cmpi eq, %iota3A, %eq3A_26 : vector<16x1xi32>
    %get3A_28 = arith.constant 3 : index
    %get3A_29 = memref.load %arg1[%get3A_28] : memref<16xf32, #tpu.memory_space<smem>>
    %jit3A = arith.constant 0.000000e+00 : f32
    %broadcast_in_dim3A = vector.broadcast %get3A_29 : f32 to vector<16x1xf32>
    %broadcast_in_dim3A_30 = vector.broadcast %jit3A : f32 to vector<16x1xf32>
    %select_n3A = arith.select %eq3A_27, %broadcast_in_dim3A, %broadcast_in_dim3A_30 : vector<16x1xi1>, vector<16x1xf32>
    %broadcast_in_dim3A_31 = vector.broadcast %get3A_24 : f32 to vector<16x1xf32>
    %select_n3A_32 = arith.select %eq3A_22, %broadcast_in_dim3A_31, %select_n3A : vector<16x1xi1>, vector<16x1xf32>
    %broadcast_in_dim3A_33 = vector.broadcast %get3A_19 : f32 to vector<16x1xf32>
    %select_n3A_34 = arith.select %eq3A_17, %broadcast_in_dim3A_33, %select_n3A_32 : vector<16x1xi1>, vector<16x1xf32>
    %broadcast_in_dim3A_35 = vector.broadcast %get3A_14 : f32 to vector<16x1xf32>
    %select_n3A_36 = arith.select %eq3A_12, %broadcast_in_dim3A_35, %select_n3A_34 : vector<16x1xi1>, vector<16x1xf32>
    %mul3A = vector.broadcast %select_n3A_36 : vector<16x1xf32> to vector<16x512xf32>
    %mul3A_37 = arith.mulf %add3A_10, %mul3A : vector<16x512xf32>
    %swap3A = arith.constant 0 : index
    %swap3A_38 = arith.constant 0 : index
    %swap3A_39 = vector.load %arg5[%swap3A, %swap3A_38] : memref<16x512xf32, #tpu.memory_space<vmem>>, vector<16x512xf32>
    tpu.vector_store %arg5[%swap3A, %swap3A_38], %mul3A_37 {strides = array<i32>} : memref<16x512xf32, #tpu.memory_space<vmem>>, vector<16x512xf32>,
    return
  }
  func.func @transform_0(%arg0: i32) -> i32 {
    %c0_i32 = arith.constant 0 : i32
    %c0_i32_0 = arith.constant 0 : i32
    return %c0_i32 : i32
  }
  func.func @transform_1(%arg0: i32) -> (i32, i32) {
    %c0_i32 = arith.constant 0 : i32
    %c0_i32_0 = arith.constant 0 : i32
    %c0_i32_1 = arith.constant 0 : i32
    return %c0_i32, %c0_i32_0 : i32, i32
  }
  func.func @transform_2(%arg0: i32) -> (i32, i32) {
    %c0_i32 = arith.constant 0 : i32
    %c0_i32_0 = arith.constant 0 : i32
    return %arg0, %c0_i32 : i32, i32
  }
  func.func @transform_3(%arg0: i32) -> (i32, i32) {
    %c0_i32 = arith.constant 0 : i32
    %c0_i32_0 = arith.constant 0 : i32
    return %c0_i32, %arg0 : i32, i32
  }
  func.func @transform_4(%arg0: i32) -> (i32, i32) {
    %c0_i32 = arith.constant 0 : i32
    %c0_i32_0 = arith.constant 0 : i32
    return %c0_i32, %arg0 : i32, i32
  }
}

</mosaic_0001>

<sc_bundles>
// kernel: kernel.7.cloned.1.call-start
scs
__scs_entry_jumppad:
0x0: {  	(pc) =	sbr.rel $0x88, $3  }
0x1: {  	(tag) =	ssettag $0x0;
	lr =	simm.s32 $0x1  }
0x2: {  	[smem:$0x3F9C] =	sst lr;
	_ =	strace $0xD0000000  }
0x3: {  	_ = 	snop  }
0x4: {  	_ = 	snop  }
0x5: {  	_ = 	snop  }
0x6: {  	_ = 	snop  }
0x7: {  	_ = 	snop  }
__scs_overlays_trampoline_lowered:
0x8: {  	[smem:$0x3FAB] =	sst s0  }
0x9: {  	[smem:$0x3FAC] =	sst s1  }
0xa: {  	[smem:$0x3FAD] =	sst s2  }
0xb: {  	[smem:$0x3FAE] =	sst s3  }
0xc: {  	[smem:$0x3FAF] =	sst s4  }
0xd: {  	[smem:$0x3FB0] =	sst s5  }
0xe: {  	[smem:$0x3FB1] =	sst s6  }
0xf: {  	[smem:$0x3FB2] =	sst s7  }
0x10: {  	[smem:$0x3FB3] =	sst s8  }
0x11: {  	[smem:$0x3FB4] =	sst s9;
	s0 =	simm.s32 @!p0 $0x0  }
0x12: {  	s1 =	sld [smem:$0x3F9A];
	s0 =	simm.s32 @p0 $0x1  }
0x13: {  	[smem:$0x3FB5] =	sst s0;
	s0 =	simm.s32 @!p1 $0x0  }
0x14: {  	s2 =	sld [smem:$0x3F99];
	s0 =	simm.s32 @p1 $0x1  }
0x15: {  	[smem:$0x3FB6] =	sst s0;
	s0 =	simm.s32 @!p2 $0x0  }
0x16: {  	s3 =	sld [smem:$0x3FDB];
	s0 =	simm.s32 @p2 $0x1  }
0x17: {  	s4 =	simm.s32 $0x1BF5;
	[smem:$0x3FB8] =	sst s0  }
0x18: {  	s0 =	sld [smem:$0x3F9B];
	_ =	swait.ge [sflag:s4], $0x0  }
0x19: {  	s7 =	sld [smem:$0x3F9C]  }
0x1a: {  	s8 =	sadd.s32 $0xFFFFE003, lr  }
0x1b: {  	s9 =	sadd.s32 $0xFFFFFEF7, lr;
	s5 =	simm.s32 $0xFFFFFFFF;
	p2 =	slt.u32 s8, $0xFFFFF086  }
0x1c: {  	p1 =	slt.u32 s9, $0xF7A;
	s5 =	simm.s32 @!p2 $0x0  }
0x1d: {  	s5 =	simm.s32 @p1 $0x1;
	p0 =	seq.s32 s7, s2  }
0x1e: {  	s7 =	smul.u32 @!p0 $0xF7A, s2;
	p2 =	seq.s32 @!p0 s5, $0x0  }
0x1f: {  	s9 =	smul.u32 $0xF7A, s1;
	s8 =	simm.s32 @!p0 $0x1BF5;
	p2 =	por !p2, p0  }
0x20: {  	[sflag:s8] =	ssyncset.s32 @!p0 $0xFFFFF086;
	s6 =	sadd.s32 @!p0 s3, s7;
	s7 =	simm.s32 @!p0 $0x108  }
0x21: {  	s3 =	sadd.s32 s3, s9;
	s6 =	sadd.s32 @!p0 $0x88, s6;
	s7 =	simm.s32 @p2 $0x1082  }
0x22: {  	[simem:s7], [sflag:s8] =	dma.local @!p0 [hbm:s6], $0xF7A  }
0x23: {  	s9 =	sor.u32 $0xD0000000, s2;
	s6 =	simm.s32 $0x108;
	_ =	swait.ge @!p0 [sflag:s8], $0x0  }
0x24: {  	s3 =	sadd.s32 $0x88, s3;
	s6 =	simm.s32 @!p1 $0x1082;
	[sflag:s4] =	ssyncset.s32 $0xFFFFF086  }
0x25: {  	[simem:s6], [sflag:s4] =	dma.local [hbm:s3], $0xF7A  }
0x26: {  	[smem:$0x3F9C] =	sst s1;
	(tag) =	ssettag s2;
	_ =	strace s9  }
0x27: {  	s1 =	sld [smem:$0x3FAC]  }
0x28: {  	s2 =	sld [smem:$0x3FAD]  }
0x29: {  	s4 =	sld [smem:$0x3FAF]  }
0x2a: {  	p0 =	seq.s32 s5, $0x0;
	s5 =	sld [smem:$0x3FB0]  }
0x2b: {  	s6 =	sld [smem:$0x3FB1]  }
0x2c: {  	s7 =	sld [smem:$0x3FB2]  }
0x2d: {  	s3 =	simm.s32 $0x108;
	s8 =	sld [smem:$0x3FB3]  }
0x2e: {  	s3 =	simm.s32 @!p0 $0x1082;
	s9 =	sld [smem:$0x3FB4]  }
0x2f: {  	lr =	sadd.s32 s0, s3;
	s0 =	sld [smem:$0x3FAB]  }
0x30: {  	s3 =	sld [smem:$0x3FAE]  }
0x31: {  	[smem:$0x3FB7] =	sst s10  }
0x32: {  	s10 =	sld [smem:$0x3FB5];
	_ =	sdelay $0x3  }
0x33: {  	p0 =	seq.s32 s10, $0x1;
	s10 =	sld [smem:$0x3FB7];
	_ =	sdelay $0x3  }
0x34: {  	[smem:$0x3FB7] =	sst s10  }
0x35: {  	s10 =	sld [smem:$0x3FB6];
	_ =	sdelay $0x3  }
0x36: {  	p1 =	seq.s32 s10, $0x1;
	s10 =	sld [smem:$0x3FB7];
	_ =	sdelay $0x3  }
0x37: {  	[smem:$0x3FB7] =	sst s10  }
0x38: {  	s10 =	sld [smem:$0x3FB8]  }
0x39: {  	_ = 	snop;
	(pc) =	sbr.ind lr, $3  }
0x3a: {  	_ = 	snop  }
0x3b: {  	_ = 	snop  }
0x3c: {  	p2 =	seq.s32 s10, $0x1;
	s10 =	sld [smem:$0x3FB7]  }
0x3d: {  	_ =	shalt  }
0x3e: {  	_ =	shalt  }
0x3f: {  	_ =	shalt  }
0x40: {  	_ =	shalt  }
0x41: {  	_ =	shalt  }
0x42: {  	_ =	shalt  }
0x43: {  	_ =	shalt  }
0x44: {  	_ =	shalt  }
0x45: {  	_ =	shalt  }
0x46: {  	_ =	shalt  }
0x47: {  	_ =	shalt  }
0x48: {  	_ =	shalt  }
0x49: {  	_ =	shalt  }
0x4a: {  	_ =	shalt  }
0x4b: {  	_ =	shalt  }
0x4c: {  	_ =	shalt  }
0x4d: {  	_ =	shalt  }
0x4e: {  	_ =	shalt  }
0x4f: {  	_ =	shalt  }
0x50: {  	_ =	shalt  }
0x51: {  	_ =	shalt  }
0x52: {  	_ =	shalt  }
0x53: {  	_ =	shalt  }
0x54: {  	_ =	shalt  }
0x55: {  	_ =	shalt  }
0x56: {  	_ =	shalt  }
0x57: {  	_ =	shalt  }
0x58: {  	_ =	shalt  }
0x59: {  	_ =	shalt  }
0x5a: {  	_ =	shalt  }
0x5b: {  	_ =	shalt  }
0x5c: {  	_ =	shalt  }
0x5d: {  	_ =	shalt  }
0x5e: {  	_ =	shalt  }
0x5f: {  	_ =	shalt  }
0x60: {  	_ =	shalt  }
0x61: {  	_ =	shalt  }
0x62: {  	_ =	shalt  }
0x63: {  	_ =	shalt  }
0x64: {  	_ =	shalt  }
0x65: {  	_ =	shalt  }
0x66: {  	_ =	shalt  }
0x67: {  	_ =	shalt  }
0x68: {  	_ =	shalt  }
0x69: {  	_ =	shalt  }
0x6a: {  	_ =	shalt  }
0x6b: {  	_ =	shalt  }
0x6c: {  	_ =	shalt  }
0x6d: {  	_ =	shalt  }
0x6e: {  	_ =	shalt  }
0x6f: {  	_ =	shalt  }
0x70: {  	_ =	shalt  }
0x71: {  	_ =	shalt  }
0x72: {  	_ =	shalt  }
0x73: {  	_ =	shalt  }
0x74: {  	_ =	shalt  }
0x75: {  	_ =	shalt  }
0x76: {  	_ =	shalt  }
0x77: {  	_ =	shalt  }
0x78: {  	_ =	shalt  }
0x79: {  	_ =	shalt  }
0x7a: {  	_ =	shalt  }
0x7b: {  	_ =	shalt  }
0x7c: {  	_ =	shalt  }
0x7d: {  	_ =	shalt  }
0x7e: {  	_ =	shalt  }
0x7f: {  	_ =	shalt  }
0x80: {  	_ =	shalt  }
0x81: {  	_ =	shalt  }
0x82: {  	_ =	shalt  }
0x83: {  	_ =	shalt  }
0x84: {  	_ =	shalt  }
0x85: {  	_ =	shalt  }
0x86: {  	_ =	shalt  }
0x87: {  	_ =	shalt  }
.Lfunc_end0:
.L_simem_size_0:
called_computation_lowered:
.L_overlay_start_0:
0x88: {  	s2 =	sld [smem:$0x3FD9]  }
0x89: {  	s3 =	sld [smem:$0x3FFE];
	_ =	sdelay $0x1  }
0x8a: {  	s1 =	srdreg.scid  }
0x8b: {  	s0 =	sand.u32 $0x1, s1  }
0x8c: {  	s17 =	sshll.u32 s0, $0xA;
	s2 =	sadd.s32 s3, s2  }
0x8d: {  	s2 =	sadd.s32 s2, s17  }
0x8e: {  	[smem:$0x3FC3] =	sst s2  }
0x8f: {  	_ = 	snop  }
0x90: {  	s2 =	sld [smem:$0x3FC9];
	(tm) =	ssettm $0x1  }
0x91: {  	s18 =	sld [smem:$0x3FFB];
	_ =	sdelay $0x3  }
0x92: {  	_ =	strace s18  }
0x93: {  	s3 =	sld [smem:$0x3FFC];
	_ =	sdelay $0x3  }
0x94: {  	_ =	strace s3  }
0x95: {  	s3 =	sld [smem:$0x3FFD];
	_ =	sdelay $0x3  }
0x96: {  	_ =	strace s3  }
0x97: {  	_ =	strace $0x8FFFFFFF  }
0x98: {  	s19 =	sld [smem:$0x3FDB];
	_ =	sdelay $0x1  }
0x99: {  	s4 =	simm.s32 $_scs_section_size  }
0x9a: {  	s5 =	simm.s32 $_size__tile_overlayer_lowered;
	s6 =	simm.s32 $_tile_overlayer_lowered  }
0x9b: {  	s22 =	simm.s32 $0x1BFF;
	s21 =	sshll.u32 s6, $0x1;
	s3 =	sadd.s32 s4, s19  }
0x9c: {  	s7 =	simm.s32 $0x0;
	s20 =	sshll.u32 s5, $0x1;
	s5 =	sadd.s32 s21, s3  }
0x9d: {  	[timem:s7], [sflag:s22] =	dma.local [hbm:s5], s20  }
0x9e: {  	_ =	swait.ge [sflag:s22], s20  }
0x9f: {  	s4 =	ssub.s32 $0x0, s20;
	[sflag:s22] =	ssyncset.done $0x0  }
0xa0: {  	[sflag:s22] =	ssyncadd.s32 s4;
	_ =	sdelay $0x1  }
0xa1: {  	s23 =	simm.s32 $0x1B8B  }
0xa2: {  	_ =	swait.ge [sflag:s23], $0x1  }
0xa3: {  	[sflag:s23] =	ssyncset.done $0x0  }
0xa4: {  	s25 =	simm.s32 $0x1B8E;
	s24 =	sld [smem:$0x3FFE];
	[sflag:s23] =	ssyncadd.s32 $0xFFFFFFFF  }
0xa5: {  	s26 =	simm.s32 $execute0_lowered;
	[smem:$0x3FD2] =	sst s25  }
0xa6: {  	s5 =	sshll.u32 s26, $0x1;
	_ =	strace $0x80000046;
	[dreg:$0x1] =	wrdreg $0xFFFFFFFF  }
0xa7: {  	s28 =	simm.s32 $_size_execute0_lowered;
	s3 =	sadd.s32 s3, s5;
	[dreg:$0x0] =	wrdreg $0x0  }
0xa8: {  	s5 =	sshll.u32 s28, $0x1;
	[dreg:$0x2] =	wrdreg s3  }
0xa9: {  	[dreg:$0x3] =	wrdreg s5  }
0xaa: {  	[dreg:$0x4] =	wrdreg $0xC0  }
0xab: {  	_ =	task [dreg:s7], $0x5FFFF  }
0xac: {  	[dreg:$0x1] =	wrdreg $0xFFFFFFFF  }
0xad: {  	[dreg:$0x0] =	wrdreg $0x60  }
0xae: {  	[dreg:$0x2] =	wrdreg s24  }
0xaf: {  	[dreg:$0x3] =	wrdreg s2  }
0xb0: {  	[dreg:$0x4] =	wrdreg $0x9  }
0xb1: {  	_ =	task.clear_ibuf [dreg:s7], $0x5FFFF;
	_ =	strace $0x90000046  }
0xb2: {  	s29 =	simm.s32 $0x9;
	_ =	strace $0x80000048  }
0xb3: {  	_ =	swait.ge [sflag:s29], $0x1  }
0xb4: {  	[sflag:s29] =	ssyncadd.s32 $0xFFFFFFFF  }
0xb5: {  	_ =	strace $0x90000048  }
0xb6: {  	_ =	sfence  }
0xb7: {  	s30 =	sld [smem:$0x0];
	_ =	sdelay $0x2  }
0xb8: {  	s31 =	sshll.u32 s1, $0xD;
	s1 =	sshrl.u32 s1, $0x2  }
0xb9: {  	s3 =	sand.u32 $0x4000, s31;
	s1 =	sadd.s32 s1, s30  }
0xba: {  	s0 =	sor.u32 s3, s0;
	s1 =	sshll.u32 s1, $0x11  }
0xbb: {  	s0 =	sor.u32 s1, s0  }
0xbc: {  	s0 =	sadd.s32 $0x8F2B, s0  }
0xbd: {  	[sflag:s0] =	ssyncadd.remote.s32 $0x1  }
0xbe: {  	_ =	sfence.sel $0xFFFF  }
0xbf: {  	[dreg:$0x0] =	wrdreg $0xFFFFFFFF;
	(pc) =	sbr.abs _section_cstart, $3  }
0xc0: {  	[dreg:$0x1] =	wrdreg $0xFFFFFFFF  }
0xc1: {  	_ =	task.clear_ibuf [dreg:s7], $0x2FFFF;
	_ =	strace $0x9FFFFFFF  }
0xc2: {  	(tm) =	ssettm $0x7FFFFFFF  }
0xc3: {  	_ =	shalt  }
tec
execute0_lowered:
.L_overlay_start_1:
0x0: {  	(tag) =	ssettag $0x1  }
0x1: {  	s1 =	srdreg.scid  }
0x2: {  	s3 =	stileid.u32;
	s1 =	sand.u32 $0x1, s1  }
0x3: {  	s3 =	sor.u32 s3, s1  }
0x4: {  	p0 =	sne.s32 s3, $0x0  }
.Ltmp0:
0x5: {  	_ = 	snop;
	(pc) =	sbr.rel @p0 .LBB2_5-.Ltmp0, $3  }
0x6: {  	_ =	sdelay $0x1  }
0x7: {  	s0 =	rddreg [dreg:$0x0]  }
0x8: {  	s2 =	rddreg [dreg:$0x1];
	_ =	strace $0x80000047  }
0x9: {  	s3 =	sadd.s32 $0x2800, s0;
	s4 =	sadd.s32 $0x3C00, s0  }
0xa: {  	s1 =	ssub.s32 $0x2, s1;
	s5 =	sadd.s32 $0x3A00, s0;
	s6 =	sadd.s32 $0x2A00, s0  }
0xb: {  	s8 =	sadd.s32 $0x100, s2;
	s9 =	sadd.s32 $0x200, s2;
	s10 =	sadd.s32 $0x300, s2  }
0xc: {  	s11 =	sadd.s32 $0x400, s2;
	s12 =	sadd.s32 $0x500, s2;
	s13 =	sadd.s32 $0x600, s2  }
0xd: {  	s14 =	sadd.s32 $0x700, s2;
	s15 =	simm.s32 $0x0;
	s16 =	simm.s32 $0x2  }
0xe: {  	s19 =	simm.s32 $0x1100;
	s25 =	simm.s32 $0x4100;
	s28 =	simm.s32 $0x5100  }
0xf: {  	v0 =	vlaneseq.u32;
	vm0 =	vcmask $0x3F10;
	s29 =	simm.s32 $0x5900;
	s30 =	simm.s32 $0x6100;
	s31 =	simm.s32 $0x6900  }
0x10: {  	vm1 =	vcmask $0x3F0C;
	vm2 =	vcmask $0x3F08;
	vm3 =	vmmov $0x1;
	s0 =	simm.s32 $0x7900;
	s17 =	simm.s32 $0x8100;
	s18 =	simm.s32 $0x8900  }
0x11: {  	vm4 =	vmmov $0xf;
	vm5 =	vmmov $0xffff;
	s20 =	simm.s32 $0x1;
	s21 =	simm.s32 $0x0;
	s26 =	sshrl.u32 s1, $0x1;
	v2 =	vshrl.u32 v0, $0x3  }
0x12: {  	v1 =	vand.u32 $0x7, v0;
	v3 =	vor.u32 $0x8, v0;
	s7 =	ssub.s32 s1, s26;
	s26 =	simm.s32 $0x4900;
	s1 =	simm.s32 $0x7100;
	v2 =	vmul.u32 $0x8, v2  }
.LBB2_2:
0x13: {  	[tilespmem:s15], [sflag:$0x2] =	stream.linear.gather [hbm4b:s3+s15], $0x1000, $0x38;
	[tilespmem:$0x9200] =	vst v63  }
0x14: {  	_ =	swait.ge [sflag:s16], $0x1000  }
0x15: {  	[sflag:s16] =	ssyncset.done $0x0  }
0x16: {  	[sflag:s16] =	ssyncadd.s32 $0xFFFFF000  }
0x17: {  	v8 =	vld [tilespmem:s15+$0x0];
	_ =	sdelay $0x1  }
0x18: {  	v14 =	vimm.f32 $-3.000000010e+38  }
0x19: {  	v4 =	vimm.f32 $3.000000010e+38;
	v7 =	vimm.s32 $0x0;
	v5 =	vor.u32 s15, v0  }
0x1a: {  	v9 =	vimm.f32 $3.000000010e+38;
	v13 =	vimm.f32 $-3.000000010e+38;
	v6 =	vimm.s32 $0x0  }
0x1b: {  	s22 =	simm.s32 $0x10;
	s23 =	simm.s32 $0x10;
	v15 =	vimm.s32 $0x0;
	v12 =	vimm.s32 $0x0;
	vm6 =	vgt.f32 v8, v14  }
.LBB2_3:
0x1c: {  	v10 =	vld [tilespmem:s23+$0x0];
	vm7 =	vgt.f32 v8, v14;
	vm8 =	vlt.f32 v8, v4;
	vm9 =	vlt.f32 v8, v9;
	s24 =	smov.u32 s22;
	p0 =	sne.s32 s22, $0xFF0  }
.Ltmp1:
0x1d: {  	s22 =	sadd.s32 $0x10, s22;
	v11 =	vsel vm7, v8, v14;
	v9 =	vsel vm9, v8, v9;
	v7 =	vsel vm9, v5, v7;
	(pc) =	sbr.rel @p0 .LBB2_3-.Ltmp1, $4  }
0x1e: {  	v14 =	vsel vm6, v13, v11;
	v9 =	vsel vm8, v4, v9;
	v7 =	vsel vm8, v6, v7  }
0x1f: {  	v11 =	vsel vm7, v5, v15;
	v13 =	vsel vm6, v8, v13;
	v4 =	vsel vm8, v8, v4  }
0x20: {  	v6 =	vsel vm8, v5, v6;
	v15 =	vsel vm6, v12, v11;
	v12 =	vsel vm6, v5, v12  }
0x21: {  	s23 =	sadd.s32 $0x10, s23;
	v5 =	vor.u32 s24, v0;
	vm6 =	vgt.f32 v10, v13;
	v8 =	vmov v10  }
0x22: {  	v16 =	vsel vm6, v8, v13  }
0x23: {  	[tilespmem:$0x9100] =	vst v16  }
0x24: {  	v17 =	vsel vm6, v5, v12;
	[tilespmem:$0x9110] =	vst v16  }
0x25: {  	[tilespmem:$0x9180] =	vst v17  }
0x26: {  	[tilespmem:$0x9190] =	vst v17;
	v10 =	vld [tilespmem:$0x9101]  }
0x27: {  	v11 =	vld [tilespmem:$0x9181];
	_ =	sdelay $0x4  }
0x28: {  	vm7 =	veq.f32 v10, v16;
	vm8 =	vlt.s32 v11, v17  }
0x29: {  	vm9 =	vgt.f32 v10, v16;
	vm7 =	vmand vm7, vm8  }
0x2a: {  	vm7 =	vmor vm9, vm7  }
0x2b: {  	v10 =	vsel vm7, v10, v16  }
0x2c: {  	[tilespmem:$0x9100] =	vst v10  }
0x2d: {  	v11 =	vsel vm7, v11, v17;
	[tilespmem:$0x9110] =	vst v10  }
0x2e: {  	[tilespmem:$0x9180] =	vst v11  }
0x2f: {  	[tilespmem:$0x9190] =	vst v11;
	v18 =	vld [tilespmem:$0x9102]  }
0x30: {  	v19 =	vld [tilespmem:$0x9182];
	_ =	sdelay $0x4  }
0x31: {  	vm7 =	veq.f32 v18, v10;
	vm14 =	vlt.s32 v19, v11  }
0x32: {  	vm15 =	vgt.f32 v18, v10;
	vm7 =	vmand vm7, vm14  }
0x33: {  	vm7 =	vmor vm15, vm7  }
0x34: {  	v10 =	vsel vm7, v18, v10  }
0x35: {  	[tilespmem:$0x9100] =	vst v10  }
0x36: {  	v11 =	vsel vm7, v19, v11;
	[tilespmem:$0x9110] =	vst v10  }
0x37: {  	[tilespmem:$0x9180] =	vst v11  }
0x38: {  	[tilespmem:$0x9190] =	vst v11;
	v57 =	vld [tilespmem:$0x9104]  }
0x39: {  	v58 =	vld [tilespmem:$0x9184];
	_ =	sdelay $0x4  }
0x3a: {  	vm7 =	veq.f32 v57, v10;
	vm12 =	vlt.s32 v58, v11  }
0x3b: {  	vm13 =	vgt.f32 v57, v10;
	vm7 =	vmand vm7, vm12  }
0x3c: {  	vm7 =	vmor vm13, vm7  }
0x3d: {  	v10 =	vsel vm7, v57, v10  }
0x3e: {  	[tilespmem:$0x9100] =	vst v10  }
0x3f: {  	v59 =	vsel vm7, v58, v11;
	[tilespmem:$0x9110] =	vst v10  }
0x40: {  	vm7 =	vlt.f32 v8, v4;
	[tilespmem:$0x9180] =	vst v59  }
0x41: {  	v60 =	vsel vm7, v8, v4;
	[tilespmem:$0x9190] =	vst v59  }
0x42: {  	v61 =	vld [tilespmem:$0x9108];
	[tilespmem:$0x9100] =	vst v60  }
0x43: {  	v20 =	vsel vm7, v5, v6;
	[tilespmem:$0x9110] =	vst v60  }
0x44: {  	v21 =	vld [tilespmem:$0x9188];
	[tilespmem:$0x9180] =	vst v20  }
0x45: {  	[tilespmem:$0x9190] =	vst v20;
	v22 =	vld [tilespmem:$0x9101]  }
0x46: {  	v23 =	vld [tilespmem:$0x9181];
	_ =	sdelay $0x4  }
0x47: {  	vm14 =	veq.f32 v22, v60;
	vm15 =	vlt.s32 v23, v20  }
0x48: {  	vm10 =	vlt.f32 v22, v60;
	vm8 =	vmand vm14, vm15  }
0x49: {  	vm8 =	vmor vm10, vm8  }
0x4a: {  	v22 =	vsel vm8, v22, v60  }
0x4b: {  	[tilespmem:$0x9100] =	vst v22  }
0x4c: {  	v23 =	vsel vm8, v23, v20;
	[tilespmem:$0x9110] =	vst v22  }
0x4d: {  	[tilespmem:$0x9180] =	vst v23  }
0x4e: {  	[tilespmem:$0x9190] =	vst v23;
	v24 =	vld [tilespmem:$0x9102]  }
0x4f: {  	v25 =	vld [tilespmem:$0x9182];
	_ =	sdelay $0x4  }
0x50: {  	vm12 =	veq.f32 v24, v22;
	vm13 =	vlt.s32 v25, v23  }
0x51: {  	vm14 =	vlt.f32 v24, v22;
	vm8 =	vmand vm12, vm13  }
0x52: {  	vm8 =	vmor vm14, vm8  }
0x53: {  	v22 =	vsel vm8, v24, v22  }
0x54: {  	[tilespmem:$0x9100] =	vst v22  }
0x55: {  	v23 =	vsel vm8, v25, v23;
	[tilespmem:$0x9110] =	vst v22  }
0x56: {  	[tilespmem:$0x9180] =	vst v23  }
0x57: {  	[tilespmem:$0x9190] =	vst v23;
	v62 =	vld [tilespmem:$0x9104]  }
0x58: {  	v63 =	vld [tilespmem:$0x9184];
	_ =	sdelay $0x3  }
0x59: {  	vm15 =	veq.f32 v61, v10  }
0x5a: {  	vm12 =	vlt.s32 v21, v59;
	vm13 =	veq.f32 v62, v22;
	vm14 =	vlt.s32 v63, v23  }
0x5b: {  	vm8 =	vmand vm15, vm12;
	vm15 =	vlt.f32 v62, v22;
	vm9 =	vmand vm13, vm14  }
0x5c: {  	vm11 =	vgt.f32 v61, v10;
	vm9 =	vmor vm15, vm9  }
0x5d: {  	vm12 =	vgt.f32 v8, v14;
	vm8 =	vmor vm11, vm8;
	v22 =	vsel vm9, v62, v22  }
0x5e: {  	v14 =	vsel vm12, v8, v14;
	v11 =	vsel vm8, v61, v10;
	v24 =	vsel vm8, v21, v59;
	[tilespmem:$0x9100] =	vst v22  }
0x5f: {  	vm13 =	veq.f32 v16, v11;
	vm14 =	veq.s32 v17, v24;
	v26 =	vsel vm9, v63, v23;
	[tilespmem:$0x9110] =	vst v22  }
0x60: {  	v27 =	vsel vm6, v13, v14;
	vm9 =	vmand vm13, vm14;
	[tilespmem:$0x9180] =	vst v26  }
0x61: {  	v28 =	vsel vm12, v5, v15;
	[tilespmem:$0x9190] =	vst v26;
	v13 =	vsel vm9, v27, v16  }
0x62: {  	v30 =	vsel vm6, v12, v28;
	v29 =	vld [tilespmem:$0x9108];
	[tilespmem:$0x9100] =	vst v13  }
0x63: {  	v12 =	vsel vm9, v30, v17;
	[tilespmem:$0x9110] =	vst v13  }
0x64: {  	v31 =	vld [tilespmem:$0x9188];
	[tilespmem:$0x9180] =	vst v12  }
0x65: {  	[tilespmem:$0x9190] =	vst v12;
	v32 =	vld [tilespmem:$0x9101]  }
0x66: {  	v33 =	vld [tilespmem:$0x9181];
	_ =	sdelay $0x4  }
0x67: {  	vm6 =	veq.f32 v32, v13;
	vm15 =	vlt.s32 v33, v12  }
0x68: {  	vm12 =	vgt.f32 v32, v13;
	vm6 =	vmand vm6, vm15  }
0x69: {  	vm6 =	vmor vm12, vm6  }
0x6a: {  	v13 =	vsel vm6, v32, v13  }
0x6b: {  	[tilespmem:$0x9100] =	vst v13  }
0x6c: {  	v12 =	vsel vm6, v33, v12;
	[tilespmem:$0x9110] =	vst v13  }
0x6d: {  	[tilespmem:$0x9180] =	vst v12  }
0x6e: {  	[tilespmem:$0x9190] =	vst v12;
	v34 =	vld [tilespmem:$0x9102]  }
0x6f: {  	v35 =	vld [tilespmem:$0x9182];
	_ =	sdelay $0x4  }
0x70: {  	vm6 =	veq.f32 v34, v13;
	vm13 =	vlt.s32 v35, v12  }
0x71: {  	vm14 =	vgt.f32 v34, v13;
	vm6 =	vmand vm6, vm13  }
0x72: {  	vm6 =	vmor vm14, vm6  }
0x73: {  	v13 =	vsel vm6, v34, v13  }
0x74: {  	[tilespmem:$0x9100] =	vst v13  }
0x75: {  	v12 =	vsel vm6, v35, v12;
	[tilespmem:$0x9110] =	vst v13  }
0x76: {  	[tilespmem:$0x9180] =	vst v12  }
0x77: {  	[tilespmem:$0x9190] =	vst v12;
	v36 =	vld [tilespmem:$0x9104]  }
0x78: {  	v37 =	vld [tilespmem:$0x9184];
	_ =	sdelay $0x4  }
0x79: {  	vm13 =	vlt.s32 v31, v26;
	vm15 =	veq.f32 v36, v13;
	vm12 =	vlt.s32 v37, v12  }
0x7a: {  	vm6 =	veq.f32 v29, v22;
	vm14 =	vgt.f32 v36, v13;
	vm8 =	vmand vm15, vm12  }
0x7b: {  	vm6 =	vmand vm6, vm13;
	vm15 =	vlt.f32 v29, v22;
	vm8 =	vmor vm14, vm8  }
0x7c: {  	vm12 =	vlt.f32 v8, v9;
	vm6 =	vmor vm15, vm6;
	v13 =	vsel vm8, v36, v13  }
0x7d: {  	v8 =	vsel vm12, v8, v9;
	v38 =	vsel vm6, v29, v22;
	v14 =	vsel vm6, v31, v26;
	[tilespmem:$0x9100] =	vst v13  }
0x7e: {  	v12 =	vsel vm8, v37, v12;
	[tilespmem:$0x9110] =	vst v13;
	vm6 =	veq.f32 v60, v38;
	vm13 =	veq.s32 v20, v14  }
0x7f: {  	v4 =	vsel vm7, v4, v8;
	[tilespmem:$0x9180] =	vst v12;
	vm6 =	vmand vm6, vm13  }
0x80: {  	v5 =	vsel vm12, v5, v7;
	[tilespmem:$0x9190] =	vst v12;
	v4 =	vsel vm6, v4, v60  }
0x81: {  	v5 =	vsel vm7, v6, v5;
	v39 =	vld [tilespmem:$0x9108];
	[tilespmem:$0x9100] =	vst v4  }
0x82: {  	v5 =	vsel vm6, v5, v20;
	[tilespmem:$0x9110] =	vst v4  }
0x83: {  	v40 =	vld [tilespmem:$0x9188];
	[tilespmem:$0x9180] =	vst v5  }
0x84: {  	[tilespmem:$0x9190] =	vst v5;
	v41 =	vld [tilespmem:$0x9101]  }
0x85: {  	v42 =	vld [tilespmem:$0x9181];
	_ =	sdelay $0x4  }
0x86: {  	vm6 =	veq.f32 v41, v4;
	vm7 =	vlt.s32 v42, v5  }
0x87: {  	vm14 =	vlt.f32 v41, v4;
	vm6 =	vmand vm6, vm7  }
0x88: {  	vm6 =	vmor vm14, vm6  }
0x89: {  	v4 =	vsel vm6, v41, v4  }
0x8a: {  	[tilespmem:$0x9100] =	vst v4  }
0x8b: {  	v5 =	vsel vm6, v42, v5;
	[tilespmem:$0x9110] =	vst v4  }
0x8c: {  	[tilespmem:$0x9180] =	vst v5  }
0x8d: {  	[tilespmem:$0x9190] =	vst v5;
	v43 =	vld [tilespmem:$0x9102]  }
0x8e: {  	v44 =	vld [tilespmem:$0x9182];
	_ =	sdelay $0x4  }
0x8f: {  	vm6 =	veq.f32 v43, v4;
	vm7 =	vlt.s32 v44, v5  }
0x90: {  	vm15 =	vlt.f32 v43, v4;
	vm6 =	vmand vm6, vm7  }
0x91: {  	vm6 =	vmor vm15, vm6  }
0x92: {  	v4 =	vsel vm6, v43, v4  }
0x93: {  	[tilespmem:$0x9100] =	vst v4  }
0x94: {  	v5 =	vsel vm6, v44, v5;
	[tilespmem:$0x9110] =	vst v4  }
0x95: {  	[tilespmem:$0x9180] =	vst v5  }
0x96: {  	[tilespmem:$0x9190] =	vst v5;
	v45 =	vld [tilespmem:$0x9104]  }
0x97: {  	v46 =	vld [tilespmem:$0x9184];
	_ =	sdelay $0x4  }
0x98: {  	vm6 =	veq.f32 v45, v4;
	vm7 =	vlt.s32 v46, v5  }
0x99: {  	vm12 =	vlt.f32 v45, v4;
	vm6 =	vmand vm6, vm7  }
0x9a: {  	vm6 =	vmor vm12, vm6  }
0x9b: {  	v4 =	vsel vm6, v45, v4  }
0x9c: {  	[tilespmem:$0x9100] =	vst v4  }
0x9d: {  	v5 =	vsel vm6, v46, v5;
	[tilespmem:$0x9110] =	vst v4  }
0x9e: {  	[tilespmem:$0x9180] =	vst v5  }
0x9f: {  	[tilespmem:$0x9190] =	vst v5;
	v47 =	vld [tilespmem:$0x9108]  }
0xa0: {  	v48 =	vld [tilespmem:$0x9188];
	_ =	sdelay $0x4  }
0xa1: {  	vm6 =	veq.f32 v47, v4;
	vm7 =	vlt.s32 v48, v5  }
0xa2: {  	vm13 =	vlt.f32 v47, v4;
	vm6 =	vmand vm6, vm7  }
0xa3: {  	vm6 =	vmor vm13, vm6  }
0xa4: {  	vm14 =	vlt.s32 v40, v12;
	vm7 =	veq.f32 v39, v13;
	v4 =	vsel vm6, v47, v4  }
0xa5: {  	vm15 =	vgt.f32 v39, v13;
	vm7 =	vmand vm7, vm14;
	v4 =	vsub.f32 $0.0e+00, v4  }
0xa6: {  	vm7 =	vmor vm15, vm7  }
0xa7: {  	v49 =	vsub.f32 $0.0e+00, v38;
	v7 =	vsel vm7, v39, v13;
	v4 =	vsel vm0, $0x0, v4  }
0xa8: {  	v4 =	vsel vm1, v4, v7  }
0xa9: {  	v4 =	vsel vm2, v4, v49  }
0xaa: {  	v4 =	vsel vm3, v11, v4  }
0xab: {  	v4 =	vsub.f32 $0.0e+00, v4;
	_ =	sdelay $0x1  }
0xac: {  	v4 =	vmul.f32 $1.442695020e+00, v4;
	_ =	sdelay $0x1  }
0xad: {  	(erf) = vpow2.f32 v4;
	_ =	sdelay $0x8  }
0xae: {  	v4 =	vpop (erf)  }
0xaf: {  	v4 =	vadd.f32 $1.000000000e+00, v4;
	_ =	sdelay $0x1  }
0xb0: {  	(erf) = vrcp.f32 v4;
	v4 =	vsel vm6, v48, v5  }
0xb1: {  	v4 =	vsel vm0, $0x0, v4  }
0xb2: {  	v5 =	vsel vm7, v40, v12;
	v4 =	vsel vm1, v4, v14  }
0xb3: {  	v4 =	vsel vm2, v4, v5  }
0xb4: {  	v4 =	vsel vm3, v24, v4  }
0xb5: {  	[tilespmem:$0x9180] =	vst v4  }
0xb6: {  	[tilespmem:$0x9190] =	vst v4  }
0xb7: {  	v50 =	vld [tilespmem:$0x9181];
	[tilespmem:$0x9180] =	vst v4  }
0xb8: {  	[tilespmem:$0x9190] =	vst v4  }
0xb9: {  	v52 =	vld [tilespmem:$0x9182];
	[tilespmem:$0x9180] =	vst v4  }
0xba: {  	[tilespmem:$0x9190] =	vst v4  }
0xbb: {  	v54 =	vld [tilespmem:$0x9183];
	[tilespmem:$0x9180] =	vst v4  }
0xbc: {  	[tilespmem:$0x9190] =	vst v4  }
0xbd: {  	v56 =	vld [tilespmem:$0x918D];
	[tilespmem:$0x9180] =	vst v4  }
0xbe: {  	[tilespmem:$0x9190] =	vst v4  }
0xbf: {  	v5 =	vpop (erf);
	v58 =	vld [tilespmem:$0x918E];
	[tilespmem:$0x9180] =	vst v4  }
0xc0: {  	v5 =	vnsel vm4, $0x0, v5;
	[tilespmem:$0x9190] =	vst v4  }
0xc1: {  	[tilespmem:$0x9100] =	vst v5  }
0xc2: {  	[tilespmem:$0x9110] =	vst v5  }
0xc3: {  	v51 =	vld [tilespmem:$0x9101];
	[tilespmem:$0x9100] =	vst v5  }
0xc4: {  	[tilespmem:$0x9110] =	vst v5  }
0xc5: {  	v53 =	vld [tilespmem:$0x9102];
	[tilespmem:$0x9100] =	vst v5  }
0xc6: {  	[tilespmem:$0x9110] =	vst v5  }
0xc7: {  	vm6 =	veq.s32 v4, v50;
	v55 =	vld [tilespmem:$0x9103];
	[tilespmem:$0x9100] =	vst v5  }
0xc8: {  	[tilespmem:$0x9110] =	vst v5;
	v6 =	vnsel vm6, $0x0, v51  }
0xc9: {  	v57 =	vld [tilespmem:$0x910D];
	[tilespmem:$0x9100] =	vst v5;
	vm6 =	veq.s32 v4, v52;
	v6 =	vadd.f32 v5, v6  }
0xca: {  	[tilespmem:$0x9110] =	vst v5;
	v8 =	vnsel vm6, $0x0, v53  }
0xcb: {  	v59 =	vld [tilespmem:$0x910E];
	[tilespmem:$0x9100] =	vst v5;
	vm6 =	veq.s32 v4, v54;
	v6 =	vadd.f32 v6, v8  }
0xcc: {  	v61 =	vld [tilespmem:$0x918F];
	[tilespmem:$0x9110] =	vst v5;
	v60 =	vnsel vm6, $0x0, v55  }
0xcd: {  	v62 =	vld [tilespmem:$0x910F];
	vm6 =	veq.s32 v4, v56;
	v5 =	vadd.f32 v60, v6  }
0xce: {  	v63 =	vnsel vm6, $0x0, v57  }
0xcf: {  	vm6 =	veq.s32 v4, v58;
	v5 =	vadd.f32 v63, v5  }
0xd0: {  	v7 =	vnsel vm6, $0x0, v59  }
0xd1: {  	vm6 =	veq.s32 v4, v61;
	v5 =	vadd.f32 v7, v5  }
0xd2: {  	v6 =	vnsel vm6, $0x0, v62  }
0xd3: {  	v5 =	vadd.f32 v6, v5;
	_ =	sdelay $0x1  }
0xd4: {  	[tilespmem:$0x1000] =	vst v4;
	v5 =	vnsel vm4, $0x0, v5  }
0xd5: {  	s22 =	simm.s32 $0x1000;
	[tilespmem:$0x1080] =	vst v5  }
0xd6: {  	[hbm4b:s4+s15] =	stream.linear.scatter [tilespmem:s22], [sflag:$0x2], $0x80, $0x38;
	[tilespmem:$0x9200] =	vst v63  }
0xd7: {  	_ =	swait.ge [sflag:s16], $0x80  }
0xd8: {  	[sflag:s16] =	ssyncset.done $0x0  }
0xd9: {  	s23 =	simm.s32 $0x1080;
	[sflag:s16] =	ssyncadd.s32 $0xFFFFFF80  }
0xda: {  	[hbm4b:s5+s15] =	stream.linear.scatter [tilespmem:s23], [sflag:$0x2], $0x80, $0x38;
	[tilespmem:$0x9200] =	vst v63  }
0xdb: {  	_ =	swait.ge [sflag:s16], $0x80  }
0xdc: {  	[sflag:s16] =	ssyncset.done $0x0  }
0xdd: {  	[sflag:s16] =	ssyncadd.s32 $0xFFFFFF80  }
0xde: {  	v4 =	vld [tilespmem:$0x1000];
	_ =	sdelay $0x4  }
0xdf: {  	v5 =	vshll.u32 v4, $0x4  }
0xe0: {  	v4 =	vand.u32 $0x7, v4;
	v5 =	vand.u32 $0xFFFFFF80, v5  }
0xe1: {  	v4 =	vor.u32 v4, v5  }
0xe2: {  	v5 =	vperm.xlane v4, v1;
	_ =	sdelay $0x1  }
0xe3: {  	v5 =	vadd.s32 v2, v5;
	_ =	sdelay $0x4  }
0xe4: {  	[tilespmem:s19], [sflag:$0x1] =	stream.indirect_vreg.gather [hbm4b:s2+s15], $0x80, v5, vm5, $0xb8;
	[tilespmem:$0x9200] =	vst v63  }
0xe5: {  	s24 =	simm.s32 $0x1900  }
0xe6: {  	[tilespmem:s24], [sflag:$0x1] =	stream.indirect_vreg.gather [hbm4b:s8+s15], $0x80, v5, vm5, $0xb8;
	[tilespmem:$0x9200] =	vst v63  }
0xe7: {  	s23 =	simm.s32 $0x2100  }
0xe8: {  	[tilespmem:s23], [sflag:$0x1] =	stream.indirect_vreg.gather [hbm4b:s9+s15], $0x80, v5, vm5, $0xb8;
	[tilespmem:$0x9200] =	vst v63  }
0xe9: {  	s24 =	simm.s32 $0x2900  }
0xea: {  	[tilespmem:s24], [sflag:$0x1] =	stream.indirect_vreg.gather [hbm4b:s10+s15], $0x80, v5, vm5, $0xb8;
	[tilespmem:$0x9200] =	vst v63  }
0xeb: {  	s23 =	simm.s32 $0x3100  }
0xec: {  	[tilespmem:s23], [sflag:$0x1] =	stream.indirect_vreg.gather [hbm4b:s11+s15], $0x80, v5, vm5, $0xb8;
	[tilespmem:$0x9200] =	vst v63  }
0xed: {  	v4 =	vperm.xlane v4, v3;
	s24 =	simm.s32 $0x3900  }
0xee: {  	[tilespmem:s24], [sflag:$0x1] =	stream.indirect_vreg.gather [hbm4b:s12+s15], $0x80, v5, vm5, $0xb8;
	[tilespmem:$0x9200] =	vst v63  }
0xef: {  	v4 =	vadd.s32 v2, v4  }
0xf0: {  	[tilespmem:s25], [sflag:$0x1] =	stream.indirect_vreg.gather [hbm4b:s13+s15], $0x80, v5, vm5, $0xb8;
	[tilespmem:$0x9200] =	vst v63  }
0xf1: {  	_ = 	snop  }
0xf2: {  	[tilespmem:s26], [sflag:$0x1] =	stream.indirect_vreg.gather [hbm4b:s14+s15], $0x80, v5, vm5, $0xb8;
	[tilespmem:$0x9200] =	vst v63  }
0xf3: {  	_ = 	snop  }
0xf4: {  	[tilespmem:s28], [sflag:$0x1] =	stream.indirect_vreg.gather [hbm4b:s2+s15], $0x80, v4, vm5, $0xb8;
	[tilespmem:$0x9200] =	vst v63  }
0xf5: {  	_ = 	snop  }
0xf6: {  	[tilespmem:s29], [sflag:$0x1] =	stream.indirect_vreg.gather [hbm4b:s8+s15], $0x80, v4, vm5, $0xb8;
	[tilespmem:$0x9200] =	vst v63  }
0xf7: {  	_ = 	snop  }
0xf8: {  	[tilespmem:s30], [sflag:$0x1] =	stream.indirect_vreg.gather [hbm4b:s9+s15], $0x80, v4, vm5, $0xb8;
	[tilespmem:$0x9200] =	vst v63  }
0xf9: {  	_ = 	snop  }
0xfa: {  	[tilespmem:s31], [sflag:$0x1] =	stream.indirect_vreg.gather [hbm4b:s10+s15], $0x80, v4, vm5, $0xb8;
	[tilespmem:$0x9200] =	vst v63  }
0xfb: {  	_ = 	snop  }
0xfc: {  	[tilespmem:s1], [sflag:$0x1] =	stream.indirect_vreg.gather [hbm4b:s11+s15], $0x80, v4, vm5, $0xb8;
	[tilespmem:$0x9200] =	vst v63  }
0xfd: {  	_ = 	snop  }
0xfe: {  	[tilespmem:s0], [sflag:$0x1] =	stream.indirect_vreg.gather [hbm4b:s12+s15], $0x80, v4, vm5, $0xb8;
	[tilespmem:$0x9200] =	vst v63  }
0xff: {  	_ = 	snop  }
0x100: {  	[tilespmem:s17], [sflag:$0x1] =	stream.indirect_vreg.gather [hbm4b:s13+s15], $0x80, v4, vm5, $0xb8;
	[tilespmem:$0x9200] =	vst v63  }
0x101: {  	_ = 	snop  }
0x102: {  	[tilespmem:s18], [sflag:$0x1] =	stream.indirect_vreg.gather [hbm4b:s14+s15], $0x80, v4, vm5, $0xb8;
	[tilespmem:$0x9200] =	vst v63  }
0x103: {  	s21 =	sadd.s32 $0x1, s21;
	_ =	swait.ge [sflag:s20], $0x8000  }
0x104: {  	p0 =	sne.s32 s21, s7;
	[sflag:s20] =	ssyncset.done $0x0  }
.Ltmp2:
0x105: {  	[sflag:s20] =	ssyncadd.s32 $0xFFFF8000;
	(pc) =	sbr.rel @p0 .LBB2_2-.Ltmp2, $4  }
0x106: {  	[hbm4b:s6+s15] =	stream.linear.scatter [tilespmem:s19], [sflag:$0x2], $0x8000, $0x38;
	[tilespmem:$0x9200] =	vst v63  }
0x107: {  	_ =	swait.ge [sflag:s16], $0x8000  }
0x108: {  	[sflag:s16] =	ssyncset.done $0x0  }
0x109: {  	[sflag:s16] =	ssyncadd.s32 $0xFFFF8000  }
.LBB2_5:
0x10a: {  	_ =	sfence.sel $0x180000  }
0x10b: {  	[bflag:$0x0] =	sbarrier.arrive $0xFFFF  }
0x10c: {  	_ =	strace $0x90000047  }
0x10d: {  	s0 =	stileid.u32;
	[bflag:$0x2] =	sbarrier.arrive $0xFFFF  }
0x10e: {  	p0 =	sne.s32 s0, $0x0;
	s0 =	rddreg [dreg:$0x2]  }
0x10f: {  	s0 =	sadd.s32 @!p0 $0x100000, s0  }
0x110: {  	[sflag:s0] =	ssyncadd.tile.s32 @!p0 $0x1;
	_ =	shalt  }
.Lfunc_end2:
_tile_overlayer_lowered:
.L_overlay_start_2:
0x111: {  	(tag) =	ssettag $0x2  }
0x112: {  	s0 =	rddreg [dreg:$0x0];
	s2 =	stileid.u32  }
0x113: {  	s1 =	rddreg [dreg:$0x1];
	p0 =	sne.s32 s2, $0x0  }
0x114: {  	s3 =	rddreg [dreg:$0x2];
	[bflag:$0x3] =	sbarrier.arrive $0xFFFF;
	s2 =	simm.s32 @!p0 $0x1C02  }
0x115: {  	[timem:s3], [sflag:s2] =	dma.local @!p0 [hbm:s0], s1  }
0x116: {  	s0 =	simm.s32 @!p0 $0x2  }
0x117: {  	_ =	swait.ge @!p0 [sflag:s0], s1  }
0x118: {  	s1 =	ssub.s32 @!p0 $0x0, s1;
	[sflag:s0] =	ssyncset.done @!p0 $0x0  }
0x119: {  	[sflag:s0] =	ssyncadd.s32 @!p0 s1  }
0x11a: {  	[bflag:$0x3] =	sbarrier.arrive $0xFFFF  }
0x11b: {  	_ =	shalt  }

</sc_bundles>
